<compile_context>
chip_gen: v7x
topology: tpu7x:2x2x1
jax: 0.10.2.dev20260603
libtpu: 0.0.44.dev20260713+nightly
codegen_flags: <defaults>
</compile_context>

<pallas_src>
import functools

import jax
import jax.numpy as jnp
from jax import lax
from jax.experimental import pallas as pl
from jax.experimental.pallas import tpu as pltpu
from jax.experimental.pallas import tpu_sc as plsc

N = 8388608
K_SEL = int(0.01 * N)
NC, NS, L = 2, 16, 16
NW = NC * NS
PER_TILE = N // NW
CHUNK = 16384

B0 = 32768
B1 = 65536
SH0 = 16

_mesh = plsc.VectorSubcoreMesh(
    core_axis_name="c", subcore_axis_name="s", num_cores=NC, num_subcores=NS)
_sc_params = pltpu.CompilerParams(needs_layout_passes=False)


def _wid():
    return lax.axis_index("s") * NC + lax.axis_index("c")


def _abs_bits(x):
    return lax.bitcast_convert_type(x, jnp.int32) & jnp.int32(0x7FFFFFFF)


def _zero_ref(ref, nwords):
    z = jnp.zeros((L,), jnp.int32)

    @plsc.parallel_loop(0, nwords // L, 1, unroll=8)
    def _(i):
        ref[pl.ds(i * L, L)] = z


def _hist_pass(tv_hbm, buf0, buf1, sem0, sem1, hist, bucket_fn):
    ones = jnp.ones((L,), jnp.int32)
    base = _wid() * PER_TILE
    nchunks = PER_TILE // CHUNK

    def src(ci):
        return tv_hbm.at[pl.ds(base + ci * CHUNK, CHUNK)]

    pltpu.async_copy(src(0), buf0, sem0)
    pltpu.async_copy(src(1), buf1, sem1)

    def process(buf):
        @plsc.parallel_loop(0, CHUNK // L, 1, unroll=16)
        def _(j):
            x = buf[pl.ds(j * L, L)]
            bits = _abs_bits(x)
            bkt, mask = bucket_fn(bits)
            plsc.addupdate_scatter(hist, [bkt], ones, mask=mask)

    def outer(t, carry):
        ci = t * 2
        for b, (buf, sem) in enumerate(((buf0, sem0), (buf1, sem1))):
            pltpu.make_async_copy(src(ci + b), buf, sem).wait()
            process(buf)

            @pl.when(ci + b + 2 < nchunks)
            def _():
                pltpu.async_copy(src(ci + b + 2), buf, sem)

        return carry

    lax.fori_loop(0, nchunks // 2, outer, 0)


def _load_sel(sel_hbm, selv, nvals):
    pltpu.sync_copy(sel_hbm, selv)
    lane = lax.iota(jnp.int32, L)
    v = selv[...]
    big_neg = jnp.int32(-(2 ** 31))
    return [jnp.max(jnp.where(lane == i, v, big_neg)) for i in range(nvals)]



@functools.partial(
    pl.kernel,
    out_type=jax.ShapeDtypeStruct((NW * B0,), jnp.int32),
    mesh=_mesh,
    compiler_params=_sc_params,
    scratch_types=[
        pltpu.VMEM((CHUNK,), jnp.float32),
        pltpu.VMEM((CHUNK,), jnp.float32),
        pltpu.SemaphoreType.DMA,
        pltpu.SemaphoreType.DMA,
        pltpu.VMEM((B0,), jnp.int32),
        pltpu.SemaphoreType.DMA,
    ],
)
def _k_hist0(tv_hbm, zz_hbm, h0_hbm, buf0, buf1, sem0, sem1, hist, zsem):
    pltpu.async_copy(zz_hbm.at[pl.ds(0, B0)], hist, zsem)
    pltpu.make_async_copy(zz_hbm.at[pl.ds(0, B0)], hist, zsem).wait()
    _hist_pass(tv_hbm, buf0, buf1, sem0, sem1, hist,
               lambda bits: (bits >> SH0, None))
    pltpu.sync_copy(hist, h0_hbm.at[pl.ds(_wid() * B0, B0)])



@functools.partial(
    pl.kernel,
    out_type=jax.ShapeDtypeStruct((NW * B1,), jnp.int32),
    mesh=_mesh,
    compiler_params=_sc_params,
    scratch_types=[
        pltpu.VMEM((CHUNK,), jnp.float32),
        pltpu.VMEM((CHUNK,), jnp.float32),
        pltpu.SemaphoreType.DMA,
        pltpu.SemaphoreType.DMA,
        pltpu.VMEM((B1,), jnp.int32),
        pltpu.VMEM((L,), jnp.int32),
        pltpu.SemaphoreType.DMA,
    ],
)
def _k_hist1(tv_hbm, sel0_hbm, zz_hbm, h1_hbm, buf0, buf1, sem0, sem1,
             hist, selv, zsem):
    pltpu.async_copy(zz_hbm, hist, zsem)
    b0, = _load_sel(sel0_hbm, selv, 1)
    pltpu.make_async_copy(zz_hbm, hist, zsem).wait()

    def bucket_fn(bits):
        mask = (bits >> SH0) == b0
        bkt = bits & jnp.int32(B1 - 1)
        return bkt, mask

    _hist_pass(tv_hbm, buf0, buf1, sem0, sem1, hist, bucket_fn)
    pltpu.sync_copy(hist, h1_hbm.at[pl.ds(_wid() * B1, B1)])



def _bsearch(g, flat_idx, kk, nbits):

    def bs(i, lohi):
        lo, hi = lohi
        mid = (lo + hi + 1) // 2
        cnt = jnp.sum(jnp.where(flat_idx >= mid, g, 0))
        ge = cnt >= kk
        return (jnp.where(ge, mid, lo), jnp.where(ge, hi, mid - 1))

    lo, _ = lax.fori_loop(0, nbits, bs, (jnp.int32(0), jnp.int32(2 ** nbits - 1)))
    cnt_gt = jnp.sum(jnp.where(flat_idx > lo, g, 0))
    return lo, cnt_gt


def _sel0_body(h_ref, sel_ref):
    g = jnp.sum(h_ref[...], axis=0)
    rows = B0 // 128
    flat = (lax.broadcasted_iota(jnp.int32, (rows, 128), 0) * 128
            + lax.broadcasted_iota(jnp.int32, (rows, 128), 1))
    b0, cnt_gt = _bsearch(g, flat, jnp.int32(K_SEL), 15)
    sel_ref[0] = b0
    sel_ref[1] = jnp.int32(K_SEL) - cnt_gt
    for i in range(2, L):
        sel_ref[i] = jnp.int32(0)


def _tc_sel0(h0):
    return pl.pallas_call(
        _sel0_body,
        in_specs=[pl.BlockSpec((NW, B0 // 128, 128), lambda: (0, 0, 0))],
        out_specs=pl.BlockSpec(memory_space=pltpu.SMEM),
        out_shape=jax.ShapeDtypeStruct((L,), jnp.int32),
    )(h0)



ROWS, COLS = 65536, 128
BLK_ROWS = 4096


def _tc_ew_body(sel0_ref, h1_hbm, tv_ref, pre_ref, out_ref, hbuf, hsem, thr_ref):
    pid = pl.program_id(0)

    @pl.when(pid == 0)
    def _():
        pltpu.make_async_copy(h1_hbm, hbuf, hsem).start()
        pltpu.make_async_copy(h1_hbm, hbuf, hsem).wait()
        g = jnp.sum(hbuf[...], axis=0)
        rows = B1 // 128
        flat = (lax.broadcasted_iota(jnp.int32, (rows, 128), 0) * 128
                + lax.broadcasted_iota(jnp.int32, (rows, 128), 1))
        b1, _ = _bsearch(g, flat, sel0_ref[1], 16)
        thr_ref[0] = (sel0_ref[0] << SH0) | b1

    tb = thr_ref[0]
    tv = tv_ref[...]
    bits = lax.bitcast_convert_type(tv, jnp.int32) & jnp.int32(0x7FFFFFFF)
    bp = jnp.where(bits > tb, jnp.float32(5.0), jnp.float32(-5.0))
    frac = jax.nn.sigmoid(bp)
    out_ref[...] = pre_ref[...] + frac * tv


def _tc_finish(sel0, h1, tv2d, pre2d):
    return pl.pallas_call(
        _tc_ew_body,
        grid=(ROWS // BLK_ROWS,),
        in_specs=[
            pl.BlockSpec(memory_space=pltpu.SMEM),
            pl.BlockSpec(memory_space=pl.ANY),
            pl.BlockSpec((BLK_ROWS, COLS), lambda i: (i, 0)),
            pl.BlockSpec((BLK_ROWS, COLS), lambda i: (i, 0)),
        ],
        out_specs=pl.BlockSpec((BLK_ROWS, COLS), lambda i: (i, 0)),
        out_shape=jax.ShapeDtypeStruct((ROWS, COLS), jnp.float32),
        scratch_shapes=[
            pltpu.VMEM((NW, B1 // 128, 128), jnp.int32),
            pltpu.SemaphoreType.DMA,
            pltpu.SMEM((1,), jnp.int32),
        ],
    )(sel0, h1, tv2d, pre2d)


@jax.jit
def kernel(task_vector, pretensor):
    tv = task_vector.reshape(-1)
    zz = jnp.zeros((B1,), jnp.int32)
    h0 = _k_hist0(tv, zz)
    sel0 = _tc_sel0(h0.reshape(NW, B0 // 128, 128))
    h1 = _k_hist1(tv, sel0, zz)
    out2d = _tc_finish(sel0, h1.reshape(NW, B1 // 128, 128),
                       tv.reshape(ROWS, COLS), pretensor.reshape(ROWS, COLS))
    return out2d.reshape(task_vector.shape)

# --- scband reference (transcript-rebuilt; emitter-appended) ---
"""Pipeline reference for scband-localizer-5763846111965 (READ-ONLY COPY).

The authoritative reference and input builder live on the scoring server;
editing this copy changes nothing except your own understanding.
"""

import jax, jax.numpy as jnp
import numpy as np

SPARSITY = 0.01
SIGMOID_BIAS = 5.0


def setup_inputs(seed: int = 0) -> dict:
    key = jax.random.key(seed)
    k1, k2 = jax.random.split(key)
    N = 8388608
    task_vector = jax.random.normal(k1, (N,), dtype=jnp.float32)
    pretensor = jax.random.normal(k2, (N,), dtype=jnp.float32)
    return {"task_vector": task_vector, "pretensor": pretensor}


def reference(task_vector, pretensor):
    # create_basepatch: global top-k over |task_vector| to find magnitude threshold
    abs_tv = jnp.abs(task_vector).reshape(-1)
    k = int(SPARSITY * abs_tv.shape[0])
    values, _ = jax.lax.top_k(abs_tv, k)
    threshold = jnp.min(values)
    # mask entries: +sigmoid_bias where |tv| > threshold else -sigmoid_bias
    basepatch = jnp.where(jnp.abs(task_vector) > threshold, SIGMOID_BIAS, -SIGMOID_BIAS)
    # interpolate_model (round_=False): p = pretensor + sigmoid(mask) * (fine - pre)
    frac = jax.nn.sigmoid(basepatch)
    out = pretensor + frac * task_vector
    return out

if __name__ == "__main__":
    import jax
    _d = setup_inputs()
    print(jax.jit(kernel)(*tuple(_d.values())))

</pallas_src>

<mosaic_0001>
#map = affine_map<(d0, d1) -> (0)>
module attributes {stable_mosaic.version = 14 : i64} {
  func.func @_k_hist1(%arg0: i32, %arg1: i32, %arg2: memref<8388608xf32, #tpu.memory_space<hbm>>, %arg3: memref<16xi32, #tpu.memory_space<hbm>>, %arg4: memref<65536xi32, #tpu.memory_space<hbm>>, %arg5: memref<2097152xi32, #tpu.memory_space<hbm>>, %arg6: memref<16384xf32, #tpu.memory_space<vmem>>, %arg7: memref<16384xf32, #tpu.memory_space<vmem>>, %arg8: memref<!tpu.dma_semaphore, #tpu.memory_space<semaphore_mem>>, %arg9: memref<!tpu.dma_semaphore, #tpu.memory_space<semaphore_mem>>, %arg10: memref<65536xi32, #tpu.memory_space<vmem>>, %arg11: memref<16xi32, #tpu.memory_space<vmem>>, %arg12: memref<!tpu.dma_semaphore, #tpu.memory_space<semaphore_mem>>) attributes {dimension_semantics = [#tpu.dimension_semantics<core_parallel>, #tpu.dimension_semantics<subcore_parallel>], iteration_bounds = array<i64: 2, 16>, scalar_prefetch = 0 : i64, scratch_operands = 7 : i64, tpu.core_type = #tpu.core_type<sc_vector_subcore>, window_params = [{transform_indices = #map}, {transform_indices = #map}, {transform_indices = #map}, {transform_indices = #map}]} {
    tpu.enqueue_dma source(%arg4 : memref<65536xi32, #tpu.memory_space<hbm>>) target(%arg10 : memref<65536xi32, #tpu.memory_space<vmem>>) target_semaphore(%arg12 : memref<!tpu.dma_semaphore, #tpu.memory_space<semaphore_mem>>)
    "tpu.region"() ({
      %run_scoped3A = tpu.sem_alloc : memref<!tpu.dma_semaphore, #tpu.memory_space<semaphore_mem>>
      tpu.enqueue_dma source(%arg3 : memref<16xi32, #tpu.memory_space<hbm>>) target(%arg11 : memref<16xi32, #tpu.memory_space<vmem>>) target_semaphore(%run_scoped3A : memref<!tpu.dma_semaphore, #tpu.memory_space<semaphore_mem>>)
      tpu.wait_dma2 semaphore(%run_scoped3A : memref<!tpu.dma_semaphore, #tpu.memory_space<semaphore_mem>>) src(%arg3 : memref<16xi32, #tpu.memory_space<hbm>>) dst(%arg11 : memref<16xi32, #tpu.memory_space<vmem>>)
      tpu.yield
    }) : () -> ()
    %iota3A = tpu.iota {dimensions = array<i32: 0>} : vector<16xi32>
    %get3A = arith.constant 0 : index
    %get3A_0 = tpu.vector_load %arg11[%get3A] {strides = array<i32>} : memref<16xi32, #tpu.memory_space<vmem>>, vector<16xi32>,
    %eq3A = arith.constant 0 : i32
    %eq3A_1 = vector.broadcast %eq3A : i32 to vector<16xi32>
    %eq3A_2 = arith.cmpi eq, %iota3A, %eq3A_1 : vector<16xi32>
    %jit3A = arith.constant -2147483648 : i32
    %broadcast_in_dim3A = vector.broadcast %jit3A : i32 to vector<16xi32>
    %select_n3A = arith.select %eq3A_2, %get3A_0, %broadcast_in_dim3A : vector<16xi1>, vector<16xi32>
    %reduce_max3A = arith.constant true
    %reduce_max3A_3 = vector.broadcast %reduce_max3A : i1 to vector<16xi1>
    %reduce_max3A_4 = arith.constant -2147483648 : i32
    %reduce_max3A_5 = vector.broadcast %reduce_max3A_4 : i32 to vector<16xi32>
    %reduce_max3A_6 = arith.xori %select_n3A, %reduce_max3A_5 : vector<16xi32>
    %reduce_max3A_7 = tpu.scan <max>, %reduce_max3A_6 masked %reduce_max3A_3 : vector<16xi32>, vector<16xi1> -> vector<16xi32>
    %reduce_max3A_8 = arith.xori %reduce_max3A_7, %reduce_max3A_5 : vector<16xi32>
    %reduce_max3A_9 = vector.extract %reduce_max3A_8[15] : i32 from vector<16xi32>
    tpu.wait_dma2 semaphore(%arg12 : memref<!tpu.dma_semaphore, #tpu.memory_space<semaphore_mem>>) src(%arg4 : memref<65536xi32, #tpu.memory_space<hbm>>) dst(%arg10 : memref<65536xi32, #tpu.memory_space<vmem>>)
    %broadcast_in_dim3A_10 = arith.constant 1 : i32
    %broadcast_in_dim3A_11 = vector.broadcast %broadcast_in_dim3A_10 : i32 to vector<16xi32>
    %mul3A = arith.constant 2 : i32
    %mul3A_12 = arith.muli %arg1, %mul3A : i32
    %add3A = arith.addi %mul3A_12, %arg0 : i32
    %mul3A_13 = arith.constant 262144 : i32
    %mul3A_14 = arith.muli %add3A, %mul3A_13 : i32
    %add3A_15 = arith.constant 0 : i32
    %add3A_16 = arith.addi %mul3A_14, %add3A_15 : i32
    %dma_start3A = tpu.memref_slice %arg2[%add3A_16] : memref<8388608xf32, #tpu.memory_space<hbm>> -> memref<16384xf32, #tpu.memory_space<hbm>>
    %dma_start3A_17 = tpu.memref_slice %arg2[%add3A_16] : memref<8388608xf32, #tpu.memory_space<hbm>> -> memref<16384xf32, #tpu.memory_space<hbm>>
    tpu.enqueue_dma source(%dma_start3A_17 : memref<16384xf32, #tpu.memory_space<hbm>>) target(%arg6 : memref<16384xf32, #tpu.memory_space<vmem>>) target_semaphore(%arg8 : memref<!tpu.dma_semaphore, #tpu.memory_space<semaphore_mem>>)
    %add3A_18 = arith.constant 16384 : i32
    %add3A_19 = arith.addi %mul3A_14, %add3A_18 : i32
    %dma_start3A_20 = tpu.memref_slice %arg2[%add3A_19] : memref<8388608xf32, #tpu.memory_space<hbm>> -> memref<16384xf32, #tpu.memory_space<hbm>>
    %dma_start3A_21 = tpu.memref_slice %arg2[%add3A_19] : memref<8388608xf32, #tpu.memory_space<hbm>> -> memref<16384xf32, #tpu.memory_space<hbm>>
    tpu.enqueue_dma source(%dma_start3A_21 : memref<16384xf32, #tpu.memory_space<hbm>>) target(%arg7 : memref<16384xf32, #tpu.memory_space<vmem>>) target_semaphore(%arg9 : memref<!tpu.dma_semaphore, #tpu.memory_space<semaphore_mem>>)
    %scan3A = arith.constant 0 : i32
    %scan3A_22 = arith.constant 0 : i32
    %scan3A_23 = arith.constant 8 : i32
    %scan3A_24 = arith.addi %scan3A_22, %scan3A_23 : i32
    %scan3A_25 = arith.constant 1 : i32
    scf.for %scan3A_32 = %scan3A_22 to %scan3A_24 step %scan3A_25  : i32 {
      %mul3A_33 = arith.constant 2 : i32
      %mul3A_34 = arith.muli %scan3A_32, %mul3A_33 : i32
      %add3A_35 = arith.constant 0 : i32
      %add3A_36 = arith.addi %mul3A_34, %add3A_35 : i32
      %mul3A_37 = arith.constant 16384 : i32
      %mul3A_38 = arith.muli %add3A_36, %mul3A_37 : i32
      %add3A_39 = arith.addi %mul3A_14, %mul3A_38 : i32
      %dma_wait3A = tpu.memref_slice %arg2[%add3A_39] : memref<8388608xf32, #tpu.memory_space<hbm>> -> memref<16384xf32, #tpu.memory_space<hbm>>
      %dma_wait3A_40 = tpu.memref_slice %arg2[%add3A_39] : memref<8388608xf32, #tpu.memory_space<hbm>> -> memref<16384xf32, #tpu.memory_space<hbm>>
      tpu.wait_dma2 semaphore(%arg8 : memref<!tpu.dma_semaphore, #tpu.memory_space<semaphore_mem>>) src(%dma_wait3A_40 : memref<16384xf32, #tpu.memory_space<hbm>>) dst(%arg6 : memref<16384xf32, #tpu.memory_space<vmem>>)
      %parallel_loop3A = arith.constant 0 : i32
      %parallel_loop3A_41 = arith.constant 1024 : i32
      %parallel_loop3A_42 = arith.constant 1 : i32
      scf.for %parallel_loop3A_68 = %parallel_loop3A to %parallel_loop3A_41 step %parallel_loop3A_42  : i32 {
        %parallel_loop3A_69 = arith.constant 16 : i32
        %parallel_loop3A_70 = arith.muli %parallel_loop3A_68, %parallel_loop3A_69 : i32
        %parallel_loop3A_71 = arith.index_cast %parallel_loop3A_70 : i32 to index
        %parallel_loop3A_72 = tpu.vector_load %arg6[%parallel_loop3A_71] {strides = array<i32>} : memref<16384xf32, #tpu.memory_space<vmem>>, vector<16xf32>,
        %parallel_loop3A_73 = tpu.bitcast %parallel_loop3A_72 : vector<16xf32> -> vector<16xi32>
        %parallel_loop3A_74 = arith.constant 2147483647 : i32
        %parallel_loop3A_75 = vector.broadcast %parallel_loop3A_74 : i32 to vector<16xi32>
        %parallel_loop3A_76 = arith.andi %parallel_loop3A_73, %parallel_loop3A_75 : vector<16xi32>
        %parallel_loop3A_77 = arith.constant 16 : i32
        %parallel_loop3A_78 = vector.broadcast %parallel_loop3A_77 : i32 to vector<16xi32>
        %parallel_loop3A_79 = arith.shrsi %parallel_loop3A_76, %parallel_loop3A_78 : vector<16xi32>
        %parallel_loop3A_80 = vector.broadcast %reduce_max3A_9 : i32 to vector<16xi32>
        %parallel_loop3A_81 = arith.cmpi eq, %parallel_loop3A_79, %parallel_loop3A_80 : vector<16xi32>
        %parallel_loop3A_82 = arith.constant 65535 : i32
        %parallel_loop3A_83 = vector.broadcast %parallel_loop3A_82 : i32 to vector<16xi32>
        %parallel_loop3A_84 = arith.andi %parallel_loop3A_76, %parallel_loop3A_83 : vector<16xi32>
        tpu.vector_store_idx %arg10[%parallel_loop3A_84], %broadcast_in_dim3A_11 masked %parallel_loop3A_81 {add = true} : memref<65536xi32, #tpu.memory_space<vmem>>[vector<16xi32>], vector<16xi32>, vector<16xi1>
      } {sc.loop_unroll_factor = 16 : i64, sc.parallel_access}
      %add3A_43 = arith.constant 0 : i32
      %add3A_44 = arith.addi %mul3A_34, %add3A_43 : i32
      %add3A_45 = arith.constant 2 : i32
      %add3A_46 = arith.addi %add3A_44, %add3A_45 : i32
      %lt3A = arith.constant 16 : i32
      %lt3A_47 = arith.cmpi slt, %add3A_46, %lt3A : i32
      %convert_element_type3A = arith.extui %lt3A_47 : i1 to i32
      %cond3A = arith.constant 0 : i32
      %cond3A_48 = arith.cmpi ne, %convert_element_type3A, %cond3A : i32
      scf.if %cond3A_48 {
        %add3A_68 = arith.constant 0 : i32
        %add3A_69 = arith.addi %mul3A_34, %add3A_68 : i32
        %add3A_70 = arith.constant 2 : i32
        %add3A_71 = arith.addi %add3A_69, %add3A_70 : i32
        %mul3A_72 = arith.constant 16384 : i32
        %mul3A_73 = arith.muli %add3A_71, %mul3A_72 : i32
        %add3A_74 = arith.addi %mul3A_14, %mul3A_73 : i32
        %dma_start3A_75 = tpu.memref_slice %arg2[%add3A_74] : memref<8388608xf32, #tpu.memory_space<hbm>> -> memref<16384xf32, #tpu.memory_space<hbm>>
        %dma_start3A_76 = tpu.memref_slice %arg2[%add3A_74] : memref<8388608xf32, #tpu.memory_space<hbm>> -> memref<16384xf32, #tpu.memory_space<hbm>>
        tpu.enqueue_dma source(%dma_start3A_76 : memref<16384xf32, #tpu.memory_space<hbm>>) target(%arg6 : memref<16384xf32, #tpu.memory_space<vmem>>) target_semaphore(%arg8 : memref<!tpu.dma_semaphore, #tpu.memory_space<semaphore_mem>>)
      } else {
      }
      %add3A_49 = arith.constant 1 : i32
      %add3A_50 = arith.addi %mul3A_34, %add3A_49 : i32
      %mul3A_51 = arith.constant 16384 : i32
      %mul3A_52 = arith.muli %add3A_50, %mul3A_51 : i32
      %add3A_53 = arith.addi %mul3A_14, %mul3A_52 : i32
      %dma_wait3A_54 = tpu.memref_slice %arg2[%add3A_53] : memref<8388608xf32, #tpu.memory_space<hbm>> -> memref<16384xf32, #tpu.memory_space<hbm>>
      %dma_wait3A_55 = tpu.memref_slice %arg2[%add3A_53] : memref<8388608xf32, #tpu.memory_space<hbm>> -> memref<16384xf32, #tpu.memory_space<hbm>>
      tpu.wait_dma2 semaphore(%arg9 : memref<!tpu.dma_semaphore, #tpu.memory_space<semaphore_mem>>) src(%dma_wait3A_55 : memref<16384xf32, #tpu.memory_space<hbm>>) dst(%arg7 : memref<16384xf32, #tpu.memory_space<vmem>>)
      %parallel_loop3A_56 = arith.constant 0 : i32
      %parallel_loop3A_57 = arith.constant 1024 : i32
      %parallel_loop3A_58 = arith.constant 1 : i32
      scf.for %parallel_loop3A_68 = %parallel_loop3A_56 to %parallel_loop3A_57 step %parallel_loop3A_58  : i32 {
        %parallel_loop3A_69 = arith.constant 16 : i32
        %parallel_loop3A_70 = arith.muli %parallel_loop3A_68, %parallel_loop3A_69 : i32
        %parallel_loop3A_71 = arith.index_cast %parallel_loop3A_70 : i32 to index
        %parallel_loop3A_72 = tpu.vector_load %arg7[%parallel_loop3A_71] {strides = array<i32>} : memref<16384xf32, #tpu.memory_space<vmem>>, vector<16xf32>,
        %parallel_loop3A_73 = tpu.bitcast %parallel_loop3A_72 : vector<16xf32> -> vector<16xi32>
        %parallel_loop3A_74 = arith.constant 2147483647 : i32
        %parallel_loop3A_75 = vector.broadcast %parallel_loop3A_74 : i32 to vector<16xi32>
        %parallel_loop3A_76 = arith.andi %parallel_loop3A_73, %parallel_loop3A_75 : vector<16xi32>
        %parallel_loop3A_77 = arith.constant 16 : i32
        %parallel_loop3A_78 = vector.broadcast %parallel_loop3A_77 : i32 to vector<16xi32>
        %parallel_loop3A_79 = arith.shrsi %parallel_loop3A_76, %parallel_loop3A_78 : vector<16xi32>
        %parallel_loop3A_80 = vector.broadcast %reduce_max3A_9 : i32 to vector<16xi32>
        %parallel_loop3A_81 = arith.cmpi eq, %parallel_loop3A_79, %parallel_loop3A_80 : vector<16xi32>
        %parallel_loop3A_82 = arith.constant 65535 : i32
        %parallel_loop3A_83 = vector.broadcast %parallel_loop3A_82 : i32 to vector<16xi32>
        %parallel_loop3A_84 = arith.andi %parallel_loop3A_76, %parallel_loop3A_83 : vector<16xi32>
        tpu.vector_store_idx %arg10[%parallel_loop3A_84], %broadcast_in_dim3A_11 masked %parallel_loop3A_81 {add = true} : memref<65536xi32, #tpu.memory_space<vmem>>[vector<16xi32>], vector<16xi32>, vector<16xi1>
      } {sc.loop_unroll_factor = 16 : i64, sc.parallel_access}
      %add3A_59 = arith.constant 1 : i32
      %add3A_60 = arith.addi %mul3A_34, %add3A_59 : i32
      %add3A_61 = arith.constant 2 : i32
      %add3A_62 = arith.addi %add3A_60, %add3A_61 : i32
      %lt3A_63 = arith.constant 16 : i32
      %lt3A_64 = arith.cmpi slt, %add3A_62, %lt3A_63 : i32
      %convert_element_type3A_65 = arith.extui %lt3A_64 : i1 to i32
      %cond3A_66 = arith.constant 0 : i32
      %cond3A_67 = arith.cmpi ne, %convert_element_type3A_65, %cond3A_66 : i32
      scf.if %cond3A_67 {
        %add3A_68 = arith.constant 1 : i32
        %add3A_69 = arith.addi %mul3A_34, %add3A_68 : i32
        %add3A_70 = arith.constant 2 : i32
        %add3A_71 = arith.addi %add3A_69, %add3A_70 : i32
        %mul3A_72 = arith.constant 16384 : i32
        %mul3A_73 = arith.muli %add3A_71, %mul3A_72 : i32
        %add3A_74 = arith.addi %mul3A_14, %mul3A_73 : i32
        %dma_start3A_75 = tpu.memref_slice %arg2[%add3A_74] : memref<8388608xf32, #tpu.memory_space<hbm>> -> memref<16384xf32, #tpu.memory_space<hbm>>
        %dma_start3A_76 = tpu.memref_slice %arg2[%add3A_74] : memref<8388608xf32, #tpu.memory_space<hbm>> -> memref<16384xf32, #tpu.memory_space<hbm>>
        tpu.enqueue_dma source(%dma_start3A_76 : memref<16384xf32, #tpu.memory_space<hbm>>) target(%arg7 : memref<16384xf32, #tpu.memory_space<vmem>>) target_semaphore(%arg9 : memref<!tpu.dma_semaphore, #tpu.memory_space<semaphore_mem>>)
      } else {
      }
    }
    %scan3A_26 = arith.constant 8 : i32
    %mul3A_27 = arith.constant 2 : i32
    %mul3A_28 = arith.muli %arg1, %mul3A_27 : i32
    %add3A_29 = arith.addi %mul3A_28, %arg0 : i32
    %mul3A_30 = arith.constant 65536 : i32
    %mul3A_31 = arith.muli %add3A_29, %mul3A_30 : i32
    "tpu.region"() ({
      %run_scoped3A = tpu.sem_alloc : memref<!tpu.dma_semaphore, #tpu.memory_space<semaphore_mem>>
      %dma_start3A_32 = tpu.memref_slice %arg5[%mul3A_31] : memref<2097152xi32, #tpu.memory_space<hbm>> -> memref<65536xi32, #tpu.memory_space<hbm>>
      %dma_start3A_33 = tpu.memref_slice %arg5[%mul3A_31] : memref<2097152xi32, #tpu.memory_space<hbm>> -> memref<65536xi32, #tpu.memory_space<hbm>>
      tpu.enqueue_dma source(%arg10 : memref<65536xi32, #tpu.memory_space<vmem>>) target(%dma_start3A_33 : memref<65536xi32, #tpu.memory_space<hbm>>) target_semaphore(%run_scoped3A : memref<!tpu.dma_semaphore, #tpu.memory_space<semaphore_mem>>)
      %dma_wait3A = tpu.memref_slice %arg5[%mul3A_31] : memref<2097152xi32, #tpu.memory_space<hbm>> -> memref<65536xi32, #tpu.memory_space<hbm>>
      %dma_wait3A_34 = tpu.memref_slice %arg5[%mul3A_31] : memref<2097152xi32, #tpu.memory_space<hbm>> -> memref<65536xi32, #tpu.memory_space<hbm>>
      tpu.wait_dma2 semaphore(%run_scoped3A : memref<!tpu.dma_semaphore, #tpu.memory_space<semaphore_mem>>) src(%arg10 : memref<65536xi32, #tpu.memory_space<vmem>>) dst(%dma_wait3A_34 : memref<65536xi32, #tpu.memory_space<hbm>>)
      tpu.yield
    }) : () -> ()
    return
  }
}

#map = affine_map<(d0, d1) -> (0)>
module attributes {stable_mosaic.version = 14 : i64} {
  func.func @_k_hist0(%arg0: i32, %arg1: i32, %arg2: memref<8388608xf32, #tpu.memory_space<hbm>>, %arg3: memref<65536xi32, #tpu.memory_space<hbm>>, %arg4: memref<1048576xi32, #tpu.memory_space<hbm>>, %arg5: memref<16384xf32, #tpu.memory_space<vmem>>, %arg6: memref<16384xf32, #tpu.memory_space<vmem>>, %arg7: memref<!tpu.dma_semaphore, #tpu.memory_space<semaphore_mem>>, %arg8: memref<!tpu.dma_semaphore, #tpu.memory_space<semaphore_mem>>, %arg9: memref<32768xi32, #tpu.memory_space<vmem>>, %arg10: memref<!tpu.dma_semaphore, #tpu.memory_space<semaphore_mem>>) attributes {dimension_semantics = [#tpu.dimension_semantics<core_parallel>, #tpu.dimension_semantics<subcore_parallel>], iteration_bounds = array<i64: 2, 16>, scalar_prefetch = 0 : i64, scratch_operands = 6 : i64, tpu.core_type = #tpu.core_type<sc_vector_subcore>, window_params = [{transform_indices = #map}, {transform_indices = #map}, {transform_indices = #map}]} {
    %dma_start3A = arith.constant 0 : i32
    %dma_start3A_0 = tpu.memref_slice %arg3[%dma_start3A] : memref<65536xi32, #tpu.memory_space<hbm>> -> memref<32768xi32, #tpu.memory_space<hbm>>
    %dma_start3A_1 = arith.constant 0 : i32
    %dma_start3A_2 = tpu.memref_slice %arg3[%dma_start3A_1] : memref<65536xi32, #tpu.memory_space<hbm>> -> memref<32768xi32, #tpu.memory_space<hbm>>
    tpu.enqueue_dma source(%dma_start3A_2 : memref<32768xi32, #tpu.memory_space<hbm>>) target(%arg9 : memref<32768xi32, #tpu.memory_space<vmem>>) target_semaphore(%arg10 : memref<!tpu.dma_semaphore, #tpu.memory_space<semaphore_mem>>)
    %dma_wait3A = arith.constant 0 : i32
    %dma_wait3A_3 = tpu.memref_slice %arg3[%dma_wait3A] : memref<65536xi32, #tpu.memory_space<hbm>> -> memref<32768xi32, #tpu.memory_space<hbm>>
    %dma_wait3A_4 = arith.constant 0 : i32
    %dma_wait3A_5 = tpu.memref_slice %arg3[%dma_wait3A_4] : memref<65536xi32, #tpu.memory_space<hbm>> -> memref<32768xi32, #tpu.memory_space<hbm>>
    tpu.wait_dma2 semaphore(%arg10 : memref<!tpu.dma_semaphore, #tpu.memory_space<semaphore_mem>>) src(%dma_wait3A_5 : memref<32768xi32, #tpu.memory_space<hbm>>) dst(%arg9 : memref<32768xi32, #tpu.memory_space<vmem>>)
    %broadcast_in_dim3A = arith.constant 1 : i32
    %broadcast_in_dim3A_6 = vector.broadcast %broadcast_in_dim3A : i32 to vector<16xi32>
    %mul3A = arith.constant 2 : i32
    %mul3A_7 = arith.muli %arg1, %mul3A : i32
    %add3A = arith.addi %mul3A_7, %arg0 : i32
    %mul3A_8 = arith.constant 262144 : i32
    %mul3A_9 = arith.muli %add3A, %mul3A_8 : i32
    %add3A_10 = arith.constant 0 : i32
    %add3A_11 = arith.addi %mul3A_9, %add3A_10 : i32
    %dma_start3A_12 = tpu.memref_slice %arg2[%add3A_11] : memref<8388608xf32, #tpu.memory_space<hbm>> -> memref<16384xf32, #tpu.memory_space<hbm>>
    %dma_start3A_13 = tpu.memref_slice %arg2[%add3A_11] : memref<8388608xf32, #tpu.memory_space<hbm>> -> memref<16384xf32, #tpu.memory_space<hbm>>
    tpu.enqueue_dma source(%dma_start3A_13 : memref<16384xf32, #tpu.memory_space<hbm>>) target(%arg5 : memref<16384xf32, #tpu.memory_space<vmem>>) target_semaphore(%arg7 : memref<!tpu.dma_semaphore, #tpu.memory_space<semaphore_mem>>)
    %add3A_14 = arith.constant 16384 : i32
    %add3A_15 = arith.addi %mul3A_9, %add3A_14 : i32
    %dma_start3A_16 = tpu.memref_slice %arg2[%add3A_15] : memref<8388608xf32, #tpu.memory_space<hbm>> -> memref<16384xf32, #tpu.memory_space<hbm>>
    %dma_start3A_17 = tpu.memref_slice %arg2[%add3A_15] : memref<8388608xf32, #tpu.memory_space<hbm>> -> memref<16384xf32, #tpu.memory_space<hbm>>
    tpu.enqueue_dma source(%dma_start3A_17 : memref<16384xf32, #tpu.memory_space<hbm>>) target(%arg6 : memref<16384xf32, #tpu.memory_space<vmem>>) target_semaphore(%arg8 : memref<!tpu.dma_semaphore, #tpu.memory_space<semaphore_mem>>)
    %scan3A = arith.constant 0 : i32
    %scan3A_18 = arith.constant 0 : i32
    %scan3A_19 = arith.constant 8 : i32
    %scan3A_20 = arith.addi %scan3A_18, %scan3A_19 : i32
    %scan3A_21 = arith.constant 1 : i32
    scf.for %scan3A_28 = %scan3A_18 to %scan3A_20 step %scan3A_21  : i32 {
      %mul3A_29 = arith.constant 2 : i32
      %mul3A_30 = arith.muli %scan3A_28, %mul3A_29 : i32
      %add3A_31 = arith.constant 0 : i32
      %add3A_32 = arith.addi %mul3A_30, %add3A_31 : i32
      %mul3A_33 = arith.constant 16384 : i32
      %mul3A_34 = arith.muli %add3A_32, %mul3A_33 : i32
      %add3A_35 = arith.addi %mul3A_9, %mul3A_34 : i32
      %dma_wait3A_36 = tpu.memref_slice %arg2[%add3A_35] : memref<8388608xf32, #tpu.memory_space<hbm>> -> memref<16384xf32, #tpu.memory_space<hbm>>
      %dma_wait3A_37 = tpu.memref_slice %arg2[%add3A_35] : memref<8388608xf32, #tpu.memory_space<hbm>> -> memref<16384xf32, #tpu.memory_space<hbm>>
      tpu.wait_dma2 semaphore(%arg7 : memref<!tpu.dma_semaphore, #tpu.memory_space<semaphore_mem>>) src(%dma_wait3A_37 : memref<16384xf32, #tpu.memory_space<hbm>>) dst(%arg5 : memref<16384xf32, #tpu.memory_space<vmem>>)
      %parallel_loop3A = arith.constant 0 : i32
      %parallel_loop3A_38 = arith.constant 1024 : i32
      %parallel_loop3A_39 = arith.constant 1 : i32
      scf.for %parallel_loop3A_65 = %parallel_loop3A to %parallel_loop3A_38 step %parallel_loop3A_39  : i32 {
        %parallel_loop3A_66 = arith.constant 16 : i32
        %parallel_loop3A_67 = arith.muli %parallel_loop3A_65, %parallel_loop3A_66 : i32
        %parallel_loop3A_68 = arith.index_cast %parallel_loop3A_67 : i32 to index
        %parallel_loop3A_69 = tpu.vector_load %arg5[%parallel_loop3A_68] {strides = array<i32>} : memref<16384xf32, #tpu.memory_space<vmem>>, vector<16xf32>,
        %parallel_loop3A_70 = tpu.bitcast %parallel_loop3A_69 : vector<16xf32> -> vector<16xi32>
        %parallel_loop3A_71 = arith.constant 2147483647 : i32
        %parallel_loop3A_72 = vector.broadcast %parallel_loop3A_71 : i32 to vector<16xi32>
        %parallel_loop3A_73 = arith.andi %parallel_loop3A_70, %parallel_loop3A_72 : vector<16xi32>
        %parallel_loop3A_74 = arith.constant 16 : i32
        %parallel_loop3A_75 = vector.broadcast %parallel_loop3A_74 : i32 to vector<16xi32>
        %parallel_loop3A_76 = arith.shrsi %parallel_loop3A_73, %parallel_loop3A_75 : vector<16xi32>
        tpu.vector_store_idx %arg9[%parallel_loop3A_76], %broadcast_in_dim3A_6 {add = true} : memref<32768xi32, #tpu.memory_space<vmem>>[vector<16xi32>], vector<16xi32>,
      } {sc.loop_unroll_factor = 16 : i64, sc.parallel_access}
      %add3A_40 = arith.constant 0 : i32
      %add3A_41 = arith.addi %mul3A_30, %add3A_40 : i32
      %add3A_42 = arith.constant 2 : i32
      %add3A_43 = arith.addi %add3A_41, %add3A_42 : i32
      %lt3A = arith.constant 16 : i32
      %lt3A_44 = arith.cmpi slt, %add3A_43, %lt3A : i32
      %convert_element_type3A = arith.extui %lt3A_44 : i1 to i32
      %cond3A = arith.constant 0 : i32
      %cond3A_45 = arith.cmpi ne, %convert_element_type3A, %cond3A : i32
      scf.if %cond3A_45 {
        %add3A_65 = arith.constant 0 : i32
        %add3A_66 = arith.addi %mul3A_30, %add3A_65 : i32
        %add3A_67 = arith.constant 2 : i32
        %add3A_68 = arith.addi %add3A_66, %add3A_67 : i32
        %mul3A_69 = arith.constant 16384 : i32
        %mul3A_70 = arith.muli %add3A_68, %mul3A_69 : i32
        %add3A_71 = arith.addi %mul3A_9, %mul3A_70 : i32
        %dma_start3A_72 = tpu.memref_slice %arg2[%add3A_71] : memref<8388608xf32, #tpu.memory_space<hbm>> -> memref<16384xf32, #tpu.memory_space<hbm>>
        %dma_start3A_73 = tpu.memref_slice %arg2[%add3A_71] : memref<8388608xf32, #tpu.memory_space<hbm>> -> memref<16384xf32, #tpu.memory_space<hbm>>
        tpu.enqueue_dma source(%dma_start3A_73 : memref<16384xf32, #tpu.memory_space<hbm>>) target(%arg5 : memref<16384xf32, #tpu.memory_space<vmem>>) target_semaphore(%arg7 : memref<!tpu.dma_semaphore, #tpu.memory_space<semaphore_mem>>)
      } else {
      }
      %add3A_46 = arith.constant 1 : i32
      %add3A_47 = arith.addi %mul3A_30, %add3A_46 : i32
      %mul3A_48 = arith.constant 16384 : i32
      %mul3A_49 = arith.muli %add3A_47, %mul3A_48 : i32
      %add3A_50 = arith.addi %mul3A_9, %mul3A_49 : i32
      %dma_wait3A_51 = tpu.memref_slice %arg2[%add3A_50] : memref<8388608xf32, #tpu.memory_space<hbm>> -> memref<16384xf32, #tpu.memory_space<hbm>>
      %dma_wait3A_52 = tpu.memref_slice %arg2[%add3A_50] : memref<8388608xf32, #tpu.memory_space<hbm>> -> memref<16384xf32, #tpu.memory_space<hbm>>
      tpu.wait_dma2 semaphore(%arg8 : memref<!tpu.dma_semaphore, #tpu.memory_space<semaphore_mem>>) src(%dma_wait3A_52 : memref<16384xf32, #tpu.memory_space<hbm>>) dst(%arg6 : memref<16384xf32, #tpu.memory_space<vmem>>)
      %parallel_loop3A_53 = arith.constant 0 : i32
      %parallel_loop3A_54 = arith.constant 1024 : i32
      %parallel_loop3A_55 = arith.constant 1 : i32
      scf.for %parallel_loop3A_65 = %parallel_loop3A_53 to %parallel_loop3A_54 step %parallel_loop3A_55  : i32 {
        %parallel_loop3A_66 = arith.constant 16 : i32
        %parallel_loop3A_67 = arith.muli %parallel_loop3A_65, %parallel_loop3A_66 : i32
        %parallel_loop3A_68 = arith.index_cast %parallel_loop3A_67 : i32 to index
        %parallel_loop3A_69 = tpu.vector_load %arg6[%parallel_loop3A_68] {strides = array<i32>} : memref<16384xf32, #tpu.memory_space<vmem>>, vector<16xf32>,
        %parallel_loop3A_70 = tpu.bitcast %parallel_loop3A_69 : vector<16xf32> -> vector<16xi32>
        %parallel_loop3A_71 = arith.constant 2147483647 : i32
        %parallel_loop3A_72 = vector.broadcast %parallel_loop3A_71 : i32 to vector<16xi32>
        %parallel_loop3A_73 = arith.andi %parallel_loop3A_70, %parallel_loop3A_72 : vector<16xi32>
        %parallel_loop3A_74 = arith.constant 16 : i32
        %parallel_loop3A_75 = vector.broadcast %parallel_loop3A_74 : i32 to vector<16xi32>
        %parallel_loop3A_76 = arith.shrsi %parallel_loop3A_73, %parallel_loop3A_75 : vector<16xi32>
        tpu.vector_store_idx %arg9[%parallel_loop3A_76], %broadcast_in_dim3A_6 {add = true} : memref<32768xi32, #tpu.memory_space<vmem>>[vector<16xi32>], vector<16xi32>,
      } {sc.loop_unroll_factor = 16 : i64, sc.parallel_access}
      %add3A_56 = arith.constant 1 : i32
      %add3A_57 = arith.addi %mul3A_30, %add3A_56 : i32
      %add3A_58 = arith.constant 2 : i32
      %add3A_59 = arith.addi %add3A_57, %add3A_58 : i32
      %lt3A_60 = arith.constant 16 : i32
      %lt3A_61 = arith.cmpi slt, %add3A_59, %lt3A_60 : i32
      %convert_element_type3A_62 = arith.extui %lt3A_61 : i1 to i32
      %cond3A_63 = arith.constant 0 : i32
      %cond3A_64 = arith.cmpi ne, %convert_element_type3A_62, %cond3A_63 : i32
      scf.if %cond3A_64 {
        %add3A_65 = arith.constant 1 : i32
        %add3A_66 = arith.addi %mul3A_30, %add3A_65 : i32
        %add3A_67 = arith.constant 2 : i32
        %add3A_68 = arith.addi %add3A_66, %add3A_67 : i32
        %mul3A_69 = arith.constant 16384 : i32
        %mul3A_70 = arith.muli %add3A_68, %mul3A_69 : i32
        %add3A_71 = arith.addi %mul3A_9, %mul3A_70 : i32
        %dma_start3A_72 = tpu.memref_slice %arg2[%add3A_71] : memref<8388608xf32, #tpu.memory_space<hbm>> -> memref<16384xf32, #tpu.memory_space<hbm>>
        %dma_start3A_73 = tpu.memref_slice %arg2[%add3A_71] : memref<8388608xf32, #tpu.memory_space<hbm>> -> memref<16384xf32, #tpu.memory_space<hbm>>
        tpu.enqueue_dma source(%dma_start3A_73 : memref<16384xf32, #tpu.memory_space<hbm>>) target(%arg6 : memref<16384xf32, #tpu.memory_space<vmem>>) target_semaphore(%arg8 : memref<!tpu.dma_semaphore, #tpu.memory_space<semaphore_mem>>)
      } else {
      }
    }
    %scan3A_22 = arith.constant 8 : i32
    %mul3A_23 = arith.constant 2 : i32
    %mul3A_24 = arith.muli %arg1, %mul3A_23 : i32
    %add3A_25 = arith.addi %mul3A_24, %arg0 : i32
    %mul3A_26 = arith.constant 32768 : i32
    %mul3A_27 = arith.muli %add3A_25, %mul3A_26 : i32
    "tpu.region"() ({
      %run_scoped3A = tpu.sem_alloc : memref<!tpu.dma_semaphore, #tpu.memory_space<semaphore_mem>>
      %dma_start3A_28 = tpu.memref_slice %arg4[%mul3A_27] : memref<1048576xi32, #tpu.memory_space<hbm>> -> memref<32768xi32, #tpu.memory_space<hbm>>
      %dma_start3A_29 = tpu.memref_slice %arg4[%mul3A_27] : memref<1048576xi32, #tpu.memory_space<hbm>> -> memref<32768xi32, #tpu.memory_space<hbm>>
      tpu.enqueue_dma source(%arg9 : memref<32768xi32, #tpu.memory_space<vmem>>) target(%dma_start3A_29 : memref<32768xi32, #tpu.memory_space<hbm>>) target_semaphore(%run_scoped3A : memref<!tpu.dma_semaphore, #tpu.memory_space<semaphore_mem>>)
      %dma_wait3A_30 = tpu.memref_slice %arg4[%mul3A_27] : memref<1048576xi32, #tpu.memory_space<hbm>> -> memref<32768xi32, #tpu.memory_space<hbm>>
      %dma_wait3A_31 = tpu.memref_slice %arg4[%mul3A_27] : memref<1048576xi32, #tpu.memory_space<hbm>> -> memref<32768xi32, #tpu.memory_space<hbm>>
      tpu.wait_dma2 semaphore(%run_scoped3A : memref<!tpu.dma_semaphore, #tpu.memory_space<semaphore_mem>>) src(%arg9 : memref<32768xi32, #tpu.memory_space<vmem>>) dst(%dma_wait3A_31 : memref<32768xi32, #tpu.memory_space<hbm>>)
      tpu.yield
    }) : () -> ()
    return
  }
}

module attributes {stable_mosaic.version = 14 : i64} {
  func.func @_sel0_body(%arg0: memref<32x256x128xi32, #tpu.memory_space<vmem>>, %arg1: memref<16xi32, #tpu.memory_space<smem>>) attributes {dimension_semantics = [], scalar_prefetch = 0 : i64, scratch_operands = 0 : i64, tpu.core_type = #tpu.core_type<tc>} {
    %get3A = arith.constant 0 : index
    %get3A_0 = arith.constant 0 : index
    %get3A_1 = arith.constant 0 : index
    %get3A_2 = vector.load %arg0[%get3A, %get3A_0, %get3A_1] : memref<32x256x128xi32, #tpu.memory_space<vmem>>, vector<32x256x128xi32>
    %reduce_sum3A = arith.constant dense<0> : vector<256x128xi32>
    %reduce_sum3A_3 = vector.multi_reduction <add>, %get3A_2, %reduce_sum3A [0] : vector<32x256x128xi32> to vector<256x128xi32>
    %iota3A = tpu.iota {dimensions = array<i32: 0>} : vector<256x128xi32>
    %mul3A = arith.constant 128 : i32
    %mul3A_4 = vector.broadcast %mul3A : i32 to vector<256x128xi32>
    %mul3A_5 = arith.muli %iota3A, %mul3A_4 : vector<256x128xi32>
    %iota3A_6 = tpu.iota {dimensions = array<i32: 1>} : vector<256x128xi32>
    %add3A = arith.addi %mul3A_5, %iota3A_6 : vector<256x128xi32>
    %scan3A = arith.constant 83886 : i32
    %scan3A_7 = arith.constant 0 : i32
    %scan3A_8 = arith.constant 32767 : i32
    %scan3A_9 = arith.constant 0 : i32
    %scan3A_10 = arith.constant 15 : i32
    %scan3A_11 = arith.addi %scan3A_9, %scan3A_10 : i32
    %scan3A_12 = arith.constant 1 : i32
    %scan3A_13:2 = scf.for %scan3A_66 = %scan3A_9 to %scan3A_11 step %scan3A_12 iter_args(%scan3A_67 = %scan3A_7, %scan3A_68 = %scan3A_8) -> (i32, i32)  : i32 {
      %add3A_69 = arith.addi %scan3A_67, %scan3A_68 : i32
      %add3A_70 = arith.constant 1 : i32
      %add3A_71 = arith.addi %add3A_69, %add3A_70 : i32
      %jit3A_72 = arith.constant 2 : i32
      %div3A = arith.divsi %add3A_71, %jit3A_72 : i32
      %sign3A = arith.constant 0 : i32
      %sign3A_73 = arith.cmpi sgt, %add3A_71, %sign3A : i32
      %sign3A_74 = arith.extui %sign3A_73 : i1 to i32
      %sign3A_75 = arith.constant 0 : i32
      %sign3A_76 = arith.cmpi slt, %add3A_71, %sign3A_75 : i32
      %sign3A_77 = arith.extui %sign3A_76 : i1 to i32
      %sign3A_78 = arith.subi %sign3A_74, %sign3A_77 : i32
      %sign3A_79 = arith.constant 0 : i32
      %sign3A_80 = arith.cmpi sgt, %jit3A_72, %sign3A_79 : i32
      %sign3A_81 = arith.extui %sign3A_80 : i1 to i32
      %sign3A_82 = arith.constant 0 : i32
      %sign3A_83 = arith.cmpi slt, %jit3A_72, %sign3A_82 : i32
      %sign3A_84 = arith.extui %sign3A_83 : i1 to i32
      %sign3A_85 = arith.subi %sign3A_81, %sign3A_84 : i32
      %ne3A = arith.cmpi ne, %sign3A_78, %sign3A_85 : i32
      %rem3A = arith.remsi %add3A_71, %jit3A_72 : i32
      %ne3A_86 = arith.constant 0 : i32
      %ne3A_87 = arith.cmpi ne, %rem3A, %ne3A_86 : i32
      %and3A = arith.andi %ne3A, %ne3A_87 : i1
      %sub3A_88 = arith.constant 1 : i32
      %sub3A_89 = arith.subi %div3A, %sub3A_88 : i32
      %select_n3A_90 = arith.select %and3A, %sub3A_89, %div3A : i32
      %ge3A = vector.broadcast %select_n3A_90 : i32 to vector<256x128xi32>
      %ge3A_91 = arith.cmpi sge, %add3A, %ge3A : vector<256x128xi32>
      %jit3A_92 = arith.constant 0 : i32
      %broadcast_in_dim3A_93 = vector.broadcast %jit3A_92 : i32 to vector<256x128xi32>
      %select_n3A_94 = arith.select %ge3A_91, %reduce_sum3A_3, %broadcast_in_dim3A_93 : vector<256x128xi1>, vector<256x128xi32>
      %reduce_sum3A_95 = vector.shape_cast %select_n3A_94 : vector<256x128xi32> to vector<1x256x128xi32>
      %reduce_sum3A_96 = arith.constant dense<0> : vector<1xi32>
      %reduce_sum3A_97 = vector.multi_reduction <add>, %reduce_sum3A_95, %reduce_sum3A_96 [1, 2] : vector<1x256x128xi32> to vector<1xi32>
      %reduce_sum3A_98 = vector.shape_cast %reduce_sum3A_97 : vector<1xi32> to vector<1x1x1xi32>
      %reduce_sum3A_99 = vector.extract %reduce_sum3A_98[0, 0, 0] : i32 from vector<1x1x1xi32>
      %ge3A_100 = arith.cmpi sge, %reduce_sum3A_99, %scan3A : i32
      %select_n3A_101 = arith.select %ge3A_100, %select_n3A_90, %scan3A_67 : i32
      %sub3A_102 = arith.constant 1 : i32
      %sub3A_103 = arith.subi %select_n3A_90, %sub3A_102 : i32
      %select_n3A_104 = arith.select %ge3A_100, %scan3A_68, %sub3A_103 : i32
      scf.yield %select_n3A_101, %select_n3A_104 : i32, i32
    }
    %gt3A = vector.broadcast %scan3A_13#0 : i32 to vector<256x128xi32>
    %gt3A_14 = arith.cmpi sgt, %add3A, %gt3A : vector<256x128xi32>
    %jit3A = arith.constant 0 : i32
    %broadcast_in_dim3A = vector.broadcast %jit3A : i32 to vector<256x128xi32>
    %select_n3A = arith.select %gt3A_14, %reduce_sum3A_3, %broadcast_in_dim3A : vector<256x128xi1>, vector<256x128xi32>
    %reduce_sum3A_15 = vector.shape_cast %select_n3A : vector<256x128xi32> to vector<1x256x128xi32>
    %reduce_sum3A_16 = arith.constant dense<0> : vector<1xi32>
    %reduce_sum3A_17 = vector.multi_reduction <add>, %reduce_sum3A_15, %reduce_sum3A_16 [1, 2] : vector<1x256x128xi32> to vector<1xi32>
    %reduce_sum3A_18 = vector.shape_cast %reduce_sum3A_17 : vector<1xi32> to vector<1x1x1xi32>
    %reduce_sum3A_19 = vector.extract %reduce_sum3A_18[0, 0, 0] : i32 from vector<1x1x1xi32>
    %swap3A = arith.constant 0 : index
    %swap3A_20 = memref.load %arg1[%swap3A] : memref<16xi32, #tpu.memory_space<smem>>
    memref.store %scan3A_13#0, %arg1[%swap3A] : memref<16xi32, #tpu.memory_space<smem>>
    %sub3A = arith.constant 83886 : i32
    %sub3A_21 = arith.subi %sub3A, %reduce_sum3A_19 : i32
    %swap3A_22 = arith.constant 1 : index
    %swap3A_23 = memref.load %arg1[%swap3A_22] : memref<16xi32, #tpu.memory_space<smem>>
    memref.store %sub3A_21, %arg1[%swap3A_22] : memref<16xi32, #tpu.memory_space<smem>>
    %swap3A_24 = arith.constant 0 : i32
    %swap3A_25 = arith.constant 2 : index
    %swap3A_26 = memref.load %arg1[%swap3A_25] : memref<16xi32, #tpu.memory_space<smem>>
    memref.store %swap3A_24, %arg1[%swap3A_25] : memref<16xi32, #tpu.memory_space<smem>>
    %swap3A_27 = arith.constant 0 : i32
    %swap3A_28 = arith.constant 3 : index
    %swap3A_29 = memref.load %arg1[%swap3A_28] : memref<16xi32, #tpu.memory_space<smem>>
    memref.store %swap3A_27, %arg1[%swap3A_28] : memref<16xi32, #tpu.memory_space<smem>>
    %swap3A_30 = arith.constant 0 : i32
    %swap3A_31 = arith.constant 4 : index
    %swap3A_32 = memref.load %arg1[%swap3A_31] : memref<16xi32, #tpu.memory_space<smem>>
    memref.store %swap3A_30, %arg1[%swap3A_31] : memref<16xi32, #tpu.memory_space<smem>>
    %swap3A_33 = arith.constant 0 : i32
    %swap3A_34 = arith.constant 5 : index
    %swap3A_35 = memref.load %arg1[%swap3A_34] : memref<16xi32, #tpu.memory_space<smem>>
    memref.store %swap3A_33, %arg1[%swap3A_34] : memref<16xi32, #tpu.memory_space<smem>>
    %swap3A_36 = arith.constant 0 : i32
    %swap3A_37 = arith.constant 6 : index
    %swap3A_38 = memref.load %arg1[%swap3A_37] : memref<16xi32, #tpu.memory_space<smem>>
    memref.store %swap3A_36, %arg1[%swap3A_37] : memref<16xi32, #tpu.memory_space<smem>>
    %swap3A_39 = arith.constant 0 : i32
    %swap3A_40 = arith.constant 7 : index
    %swap3A_41 = memref.load %arg1[%swap3A_40] : memref<16xi32, #tpu.memory_space<smem>>
    memref.store %swap3A_39, %arg1[%swap3A_40] : memref<16xi32, #tpu.memory_space<smem>>
    %swap3A_42 = arith.constant 0 : i32
    %swap3A_43 = arith.constant 8 : index
    %swap3A_44 = memref.load %arg1[%swap3A_43] : memref<16xi32, #tpu.memory_space<smem>>
    memref.store %swap3A_42, %arg1[%swap3A_43] : memref<16xi32, #tpu.memory_space<smem>>
    %swap3A_45 = arith.constant 0 : i32
    %swap3A_46 = arith.constant 9 : index
    %swap3A_47 = memref.load %arg1[%swap3A_46] : memref<16xi32, #tpu.memory_space<smem>>
    memref.store %swap3A_45, %arg1[%swap3A_46] : memref<16xi32, #tpu.memory_space<smem>>
    %swap3A_48 = arith.constant 0 : i32
    %swap3A_49 = arith.constant 10 : index
    %swap3A_50 = memref.load %arg1[%swap3A_49] : memref<16xi32, #tpu.memory_space<smem>>
    memref.store %swap3A_48, %arg1[%swap3A_49] : memref<16xi32, #tpu.memory_space<smem>>
    %swap3A_51 = arith.constant 0 : i32
    %swap3A_52 = arith.constant 11 : index
    %swap3A_53 = memref.load %arg1[%swap3A_52] : memref<16xi32, #tpu.memory_space<smem>>
    memref.store %swap3A_51, %arg1[%swap3A_52] : memref<16xi32, #tpu.memory_space<smem>>
    %swap3A_54 = arith.constant 0 : i32
    %swap3A_55 = arith.constant 12 : index
    %swap3A_56 = memref.load %arg1[%swap3A_55] : memref<16xi32, #tpu.memory_space<smem>>
    memref.store %swap3A_54, %arg1[%swap3A_55] : memref<16xi32, #tpu.memory_space<smem>>
    %swap3A_57 = arith.constant 0 : i32
    %swap3A_58 = arith.constant 13 : index
    %swap3A_59 = memref.load %arg1[%swap3A_58] : memref<16xi32, #tpu.memory_space<smem>>
    memref.store %swap3A_57, %arg1[%swap3A_58] : memref<16xi32, #tpu.memory_space<smem>>
    %swap3A_60 = arith.constant 0 : i32
    %swap3A_61 = arith.constant 14 : index
    %swap3A_62 = memref.load %arg1[%swap3A_61] : memref<16xi32, #tpu.memory_space<smem>>
    memref.store %swap3A_60, %arg1[%swap3A_61] : memref<16xi32, #tpu.memory_space<smem>>
    %swap3A_63 = arith.constant 0 : i32
    %swap3A_64 = arith.constant 15 : index
    %swap3A_65 = memref.load %arg1[%swap3A_64] : memref<16xi32, #tpu.memory_space<smem>>
    memref.store %swap3A_63, %arg1[%swap3A_64] : memref<16xi32, #tpu.memory_space<smem>>
    return
  }
}

module attributes {stable_mosaic.version = 14 : i64} {
  func.func @_tc_ew_body(%arg0: i32, %arg1: memref<16xi32, #tpu.memory_space<smem>>, %arg2: memref<32x512x128xi32, #tpu.memory_space<any>>, %arg3: memref<4096x128xf32, #tpu.memory_space<vmem>>, %arg4: memref<4096x128xf32, #tpu.memory_space<vmem>>, %arg5: memref<4096x128xf32, #tpu.memory_space<vmem>>, %arg6: memref<32x512x128xi32, #tpu.memory_space<vmem>>, %arg7: memref<!tpu.dma_semaphore, #tpu.memory_space<semaphore_mem>>, %arg8: memref<1xi32, #tpu.memory_space<smem>>) attributes {dimension_semantics = [#tpu.dimension_semantics<arbitrary>], iteration_bounds = array<i64: 16>, scalar_prefetch = 0 : i64, scratch_operands = 3 : i64, tpu.core_type = #tpu.core_type<tc>, window_params = [{transform_indices = @transform_0, window_bounds = array<i64: 16>}, {}, {transform_indices = @transform_2, window_bounds = array<i64: 4096, 128>}, {transform_indices = @transform_3, window_bounds = array<i64: 4096, 128>}, {transform_indices = @transform_4, window_bounds = array<i64: 4096, 128>}]} {
    %eq3A = arith.constant 0 : i32
    %eq3A_0 = arith.cmpi eq, %arg0, %eq3A : i32
    %convert_element_type3A = arith.extui %eq3A_0 : i1 to i32
    %cond3A = arith.constant 0 : i32
    %cond3A_1 = arith.cmpi ne, %convert_element_type3A, %cond3A : i32
    scf.if %cond3A_1 {
      tpu.enqueue_dma source(%arg2 : memref<32x512x128xi32, #tpu.memory_space<any>>) target(%arg6 : memref<32x512x128xi32, #tpu.memory_space<vmem>>) target_semaphore(%arg7 : memref<!tpu.dma_semaphore, #tpu.memory_space<semaphore_mem>>)
      tpu.wait_dma2 semaphore(%arg7 : memref<!tpu.dma_semaphore, #tpu.memory_space<semaphore_mem>>) src(%arg2 : memref<32x512x128xi32, #tpu.memory_space<any>>) dst(%arg6 : memref<32x512x128xi32, #tpu.memory_space<vmem>>)
      %get3A_21 = arith.constant 0 : index
      %get3A_22 = arith.constant 0 : index
      %get3A_23 = arith.constant 0 : index
      %get3A_24 = vector.load %arg6[%get3A_21, %get3A_22, %get3A_23] : memref<32x512x128xi32, #tpu.memory_space<vmem>>, vector<32x512x128xi32>
      %reduce_sum3A = arith.constant dense<0> : vector<512x128xi32>
      %reduce_sum3A_25 = vector.multi_reduction <add>, %get3A_24, %reduce_sum3A [0] : vector<32x512x128xi32> to vector<512x128xi32>
      %iota3A = tpu.iota {dimensions = array<i32: 0>} : vector<512x128xi32>
      %mul3A_26 = arith.constant 128 : i32
      %mul3A_27 = vector.broadcast %mul3A_26 : i32 to vector<512x128xi32>
      %mul3A_28 = arith.muli %iota3A, %mul3A_27 : vector<512x128xi32>
      %iota3A_29 = tpu.iota {dimensions = array<i32: 1>} : vector<512x128xi32>
      %add3A_30 = arith.addi %mul3A_28, %iota3A_29 : vector<512x128xi32>
      %get3A_31 = arith.constant 1 : index
      %get3A_32 = memref.load %arg1[%get3A_31] : memref<16xi32, #tpu.memory_space<smem>>
      %scan3A = arith.constant 0 : i32
      %scan3A_33 = arith.constant 65535 : i32
      %scan3A_34 = arith.constant 0 : i32
      %scan3A_35 = arith.constant 16 : i32
      %scan3A_36 = arith.addi %scan3A_34, %scan3A_35 : i32
      %scan3A_37 = arith.constant 1 : i32
      %scan3A_38:2 = scf.for %scan3A_44 = %scan3A_34 to %scan3A_36 step %scan3A_37 iter_args(%scan3A_45 = %scan3A, %scan3A_46 = %scan3A_33) -> (i32, i32)  : i32 {
        %add3A_47 = arith.addi %scan3A_45, %scan3A_46 : i32
        %add3A_48 = arith.constant 1 : i32
        %add3A_49 = arith.addi %add3A_47, %add3A_48 : i32
        %jit3A_50 = arith.constant 2 : i32
        %div3A = arith.divsi %add3A_49, %jit3A_50 : i32
        %sign3A = arith.constant 0 : i32
        %sign3A_51 = arith.cmpi sgt, %add3A_49, %sign3A : i32
        %sign3A_52 = arith.extui %sign3A_51 : i1 to i32
        %sign3A_53 = arith.constant 0 : i32
        %sign3A_54 = arith.cmpi slt, %add3A_49, %sign3A_53 : i32
        %sign3A_55 = arith.extui %sign3A_54 : i1 to i32
        %sign3A_56 = arith.subi %sign3A_52, %sign3A_55 : i32
        %sign3A_57 = arith.constant 0 : i32
        %sign3A_58 = arith.cmpi sgt, %jit3A_50, %sign3A_57 : i32
        %sign3A_59 = arith.extui %sign3A_58 : i1 to i32
        %sign3A_60 = arith.constant 0 : i32
        %sign3A_61 = arith.cmpi slt, %jit3A_50, %sign3A_60 : i32
        %sign3A_62 = arith.extui %sign3A_61 : i1 to i32
        %sign3A_63 = arith.subi %sign3A_59, %sign3A_62 : i32
        %ne3A = arith.cmpi ne, %sign3A_56, %sign3A_63 : i32
        %rem3A = arith.remsi %add3A_49, %jit3A_50 : i32
        %ne3A_64 = arith.constant 0 : i32
        %ne3A_65 = arith.cmpi ne, %rem3A, %ne3A_64 : i32
        %and3A_66 = arith.andi %ne3A, %ne3A_65 : i1
        %sub3A = arith.constant 1 : i32
        %sub3A_67 = arith.subi %div3A, %sub3A : i32
        %select_n3A_68 = arith.select %and3A_66, %sub3A_67, %div3A : i32
        %ge3A = vector.broadcast %select_n3A_68 : i32 to vector<512x128xi32>
        %ge3A_69 = arith.cmpi sge, %add3A_30, %ge3A : vector<512x128xi32>
        %jit3A_70 = arith.constant 0 : i32
        %broadcast_in_dim3A_71 = vector.broadcast %jit3A_70 : i32 to vector<512x128xi32>
        %select_n3A_72 = arith.select %ge3A_69, %reduce_sum3A_25, %broadcast_in_dim3A_71 : vector<512x128xi1>, vector<512x128xi32>
        %reduce_sum3A_73 = vector.shape_cast %select_n3A_72 : vector<512x128xi32> to vector<1x512x128xi32>
        %reduce_sum3A_74 = arith.constant dense<0> : vector<1xi32>
        %reduce_sum3A_75 = vector.multi_reduction <add>, %reduce_sum3A_73, %reduce_sum3A_74 [1, 2] : vector<1x512x128xi32> to vector<1xi32>
        %reduce_sum3A_76 = vector.shape_cast %reduce_sum3A_75 : vector<1xi32> to vector<1x1x1xi32>
        %reduce_sum3A_77 = vector.extract %reduce_sum3A_76[0, 0, 0] : i32 from vector<1x1x1xi32>
        %ge3A_78 = arith.cmpi sge, %reduce_sum3A_77, %get3A_32 : i32
        %select_n3A_79 = arith.select %ge3A_78, %select_n3A_68, %scan3A_45 : i32
        %sub3A_80 = arith.constant 1 : i32
        %sub3A_81 = arith.subi %select_n3A_68, %sub3A_80 : i32
        %select_n3A_82 = arith.select %ge3A_78, %scan3A_46, %sub3A_81 : i32
        scf.yield %select_n3A_79, %select_n3A_82 : i32, i32
      }
      %get3A_39 = arith.constant 0 : index
      %get3A_40 = memref.load %arg1[%get3A_39] : memref<16xi32, #tpu.memory_space<smem>>
      %shift_left3A = arith.constant 16 : i32
      %shift_left3A_41 = arith.shli %get3A_40, %shift_left3A : i32
      %or3A = arith.ori %shift_left3A_41, %scan3A_38#0 : i32
      %swap3A_42 = arith.constant 0 : index
      %swap3A_43 = memref.load %arg8[%swap3A_42] : memref<1xi32, #tpu.memory_space<smem>>
      memref.store %or3A, %arg8[%swap3A_42] : memref<1xi32, #tpu.memory_space<smem>>
    } else {
    }
    %get3A = arith.constant 0 : index
    %get3A_2 = memref.load %arg8[%get3A] : memref<1xi32, #tpu.memory_space<smem>>
    %get3A_3 = arith.constant 0 : index
    %get3A_4 = arith.constant 0 : index
    %get3A_5 = vector.load %arg3[%get3A_3, %get3A_4] : memref<4096x128xf32, #tpu.memory_space<vmem>>, vector<4096x128xf32>
    %bitcast_convert_type3A = tpu.bitcast %get3A_5 : vector<4096x128xf32> -> vector<4096x128xi32>
    %and3A = arith.constant 2147483647 : i32
    %and3A_6 = vector.broadcast %and3A : i32 to vector<4096x128xi32>
    %and3A_7 = arith.andi %bitcast_convert_type3A, %and3A_6 : vector<4096x128xi32>
    %gt3A = vector.broadcast %get3A_2 : i32 to vector<4096x128xi32>
    %gt3A_8 = arith.cmpi sgt, %and3A_7, %gt3A : vector<4096x128xi32>
    %jit3A = arith.constant 5.000000e+00 : f32
    %jit3A_9 = arith.constant -5.000000e+00 : f32
    %broadcast_in_dim3A = vector.broadcast %jit3A : f32 to vector<4096x128xf32>
    %broadcast_in_dim3A_10 = vector.broadcast %jit3A_9 : f32 to vector<4096x128xf32>
    %select_n3A = arith.select %gt3A_8, %broadcast_in_dim3A, %broadcast_in_dim3A_10 : vector<4096x128xi1>, vector<4096x128xf32>
    %logistic3A = arith.negf %select_n3A : vector<4096x128xf32>
    %logistic3A_11 = math.exp %logistic3A : vector<4096x128xf32>
    %logistic3A_12 = arith.constant 1.000000e+00 : f32
    %logistic3A_13 = vector.broadcast %logistic3A_12 : f32 to vector<4096x128xf32>
    %logistic3A_14 = arith.addf %logistic3A_13, %logistic3A_11 : vector<4096x128xf32>
    %logistic3A_15 = arith.divf %logistic3A_13, %logistic3A_14 : vector<4096x128xf32>
    %get3A_16 = arith.constant 0 : index
    %get3A_17 = arith.constant 0 : index
    %get3A_18 = vector.load %arg4[%get3A_16, %get3A_17] : memref<4096x128xf32, #tpu.memory_space<vmem>>, vector<4096x128xf32>
    %mul3A = arith.mulf %logistic3A_15, %get3A_5 : vector<4096x128xf32>
    %add3A = arith.addf %get3A_18, %mul3A : vector<4096x128xf32>
    %swap3A = arith.constant 0 : index
    %swap3A_19 = arith.constant 0 : index
    %swap3A_20 = vector.load %arg5[%swap3A, %swap3A_19] : memref<4096x128xf32, #tpu.memory_space<vmem>>, vector<4096x128xf32>
    tpu.vector_store %arg5[%swap3A, %swap3A_19], %add3A {strides = array<i32>} : memref<4096x128xf32, #tpu.memory_space<vmem>>, vector<4096x128xf32>,
    return
  }
  func.func @transform_0(%arg0: i32) -> i32 {
    %c0_i32 = arith.constant 0 : i32
    %c0_i32_0 = arith.constant 0 : i32
    return %c0_i32 : i32
  }
  func.func @transform_2(%arg0: i32) -> (i32, i32) {
    %c0_i32 = arith.constant 0 : i32
    %c0_i32_0 = arith.constant 0 : i32
    return %arg0, %c0_i32 : i32, i32
  }
  func.func @transform_3(%arg0: i32) -> (i32, i32) {
    %c0_i32 = arith.constant 0 : i32
    %c0_i32_0 = arith.constant 0 : i32
    return %arg0, %c0_i32 : i32, i32
  }
  func.func @transform_4(%arg0: i32) -> (i32, i32) {
    %c0_i32 = arith.constant 0 : i32
    %c0_i32_0 = arith.constant 0 : i32
    return %arg0, %c0_i32 : i32, i32
  }
}

</mosaic_0001>

<sc_bundles>
// kernel: kernel.6.cloned.1.call-start
scs
__scs_entry_jumppad:
0x0: {  	(pc) =	sbr.rel $0x88, $3  }
0x1: {  	(tag) =	ssettag $0x0;
	lr =	simm.s32 $0x1  }
0x2: {  	[smem:$0x3F9F] =	sst lr;
	_ =	strace $0xD0000000  }
0x3: {  	_ = 	snop  }
0x4: {  	_ = 	snop  }
0x5: {  	_ = 	snop  }
0x6: {  	_ = 	snop  }
0x7: {  	_ = 	snop  }
__scs_overlays_trampoline_lowered:
0x8: {  	[smem:$0x3FAE] =	sst s0  }
0x9: {  	[smem:$0x3FAF] =	sst s1  }
0xa: {  	[smem:$0x3FB0] =	sst s2  }
0xb: {  	[smem:$0x3FB1] =	sst s3  }
0xc: {  	[smem:$0x3FB2] =	sst s4  }
0xd: {  	[smem:$0x3FB3] =	sst s5  }
0xe: {  	[smem:$0x3FB4] =	sst s6  }
0xf: {  	[smem:$0x3FB5] =	sst s7  }
0x10: {  	[smem:$0x3FB6] =	sst s8  }
0x11: {  	[smem:$0x3FB7] =	sst s9;
	s0 =	simm.s32 @!p0 $0x0  }
0x12: {  	s1 =	sld [smem:$0x3F9D];
	s0 =	simm.s32 @p0 $0x1  }
0x13: {  	[smem:$0x3FB8] =	sst s0;
	s0 =	simm.s32 @!p1 $0x0  }
0x14: {  	s2 =	sld [smem:$0x3F9C];
	s0 =	simm.s32 @p1 $0x1  }
0x15: {  	[smem:$0x3FB9] =	sst s0;
	s0 =	simm.s32 @!p2 $0x0  }
0x16: {  	s3 =	sld [smem:$0x3FDB];
	s0 =	simm.s32 @p2 $0x1  }
0x17: {  	s4 =	simm.s32 $0x1BF5;
	[smem:$0x3FBB] =	sst s0  }
0x18: {  	s0 =	sld [smem:$0x3F9E];
	_ =	swait.ge [sflag:s4], $0x0  }
0x19: {  	s7 =	sld [smem:$0x3F9F]  }
0x1a: {  	s8 =	sadd.s32 $0xFFFFE003, lr  }
0x1b: {  	s9 =	sadd.s32 $0xFFFFFEF7, lr;
	s5 =	simm.s32 $0xFFFFFFFF;
	p2 =	slt.u32 s8, $0xFFFFF086  }
0x1c: {  	p1 =	slt.u32 s9, $0xF7A;
	s5 =	simm.s32 @!p2 $0x0  }
0x1d: {  	s5 =	simm.s32 @p1 $0x1;
	p0 =	seq.s32 s7, s2  }
0x1e: {  	s7 =	smul.u32 @!p0 $0xF7A, s2;
	p2 =	seq.s32 @!p0 s5, $0x0  }
0x1f: {  	s9 =	smul.u32 $0xF7A, s1;
	s8 =	simm.s32 @!p0 $0x1BF5;
	p2 =	por !p2, p0  }
0x20: {  	[sflag:s8] =	ssyncset.s32 @!p0 $0xFFFFF086;
	s6 =	sadd.s32 @!p0 s3, s7;
	s7 =	simm.s32 @!p0 $0x108  }
0x21: {  	s3 =	sadd.s32 s3, s9;
	s6 =	sadd.s32 @!p0 $0x88, s6;
	s7 =	simm.s32 @p2 $0x1082  }
0x22: {  	[simem:s7], [sflag:s8] =	dma.local @!p0 [hbm:s6], $0xF7A  }
0x23: {  	s9 =	sor.u32 $0xD0000000, s2;
	s6 =	simm.s32 $0x108;
	_ =	swait.ge @!p0 [sflag:s8], $0x0  }
0x24: {  	s3 =	sadd.s32 $0x88, s3;
	s6 =	simm.s32 @!p1 $0x1082;
	[sflag:s4] =	ssyncset.s32 $0xFFFFF086  }
0x25: {  	[simem:s6], [sflag:s4] =	dma.local [hbm:s3], $0xF7A  }
0x26: {  	[smem:$0x3F9F] =	sst s1;
	(tag) =	ssettag s2;
	_ =	strace s9  }
0x27: {  	s1 =	sld [smem:$0x3FAF]  }
0x28: {  	s2 =	sld [smem:$0x3FB0]  }
0x29: {  	s4 =	sld [smem:$0x3FB2]  }
0x2a: {  	p0 =	seq.s32 s5, $0x0;
	s5 =	sld [smem:$0x3FB3]  }
0x2b: {  	s6 =	sld [smem:$0x3FB4]  }
0x2c: {  	s7 =	sld [smem:$0x3FB5]  }
0x2d: {  	s3 =	simm.s32 $0x108;
	s8 =	sld [smem:$0x3FB6]  }
0x2e: {  	s3 =	simm.s32 @!p0 $0x1082;
	s9 =	sld [smem:$0x3FB7]  }
0x2f: {  	lr =	sadd.s32 s0, s3;
	s0 =	sld [smem:$0x3FAE]  }
0x30: {  	s3 =	sld [smem:$0x3FB1]  }
0x31: {  	[smem:$0x3FBA] =	sst s10  }
0x32: {  	s10 =	sld [smem:$0x3FB8];
	_ =	sdelay $0x3  }
0x33: {  	p0 =	seq.s32 s10, $0x1;
	s10 =	sld [smem:$0x3FBA];
	_ =	sdelay $0x3  }
0x34: {  	[smem:$0x3FBA] =	sst s10  }
0x35: {  	s10 =	sld [smem:$0x3FB9];
	_ =	sdelay $0x3  }
0x36: {  	p1 =	seq.s32 s10, $0x1;
	s10 =	sld [smem:$0x3FBA];
	_ =	sdelay $0x3  }
0x37: {  	[smem:$0x3FBA] =	sst s10  }
0x38: {  	s10 =	sld [smem:$0x3FBB]  }
0x39: {  	_ = 	snop;
	(pc) =	sbr.ind lr, $3  }
0x3a: {  	_ = 	snop  }
0x3b: {  	_ = 	snop  }
0x3c: {  	p2 =	seq.s32 s10, $0x1;
	s10 =	sld [smem:$0x3FBA]  }
0x3d: {  	_ =	shalt  }
0x3e: {  	_ =	shalt  }
0x3f: {  	_ =	shalt  }
0x40: {  	_ =	shalt  }
0x41: {  	_ =	shalt  }
0x42: {  	_ =	shalt  }
0x43: {  	_ =	shalt  }
0x44: {  	_ =	shalt  }
0x45: {  	_ =	shalt  }
0x46: {  	_ =	shalt  }
0x47: {  	_ =	shalt  }
0x48: {  	_ =	shalt  }
0x49: {  	_ =	shalt  }
0x4a: {  	_ =	shalt  }
0x4b: {  	_ =	shalt  }
0x4c: {  	_ =	shalt  }
0x4d: {  	_ =	shalt  }
0x4e: {  	_ =	shalt  }
0x4f: {  	_ =	shalt  }
0x50: {  	_ =	shalt  }
0x51: {  	_ =	shalt  }
0x52: {  	_ =	shalt  }
0x53: {  	_ =	shalt  }
0x54: {  	_ =	shalt  }
0x55: {  	_ =	shalt  }
0x56: {  	_ =	shalt  }
0x57: {  	_ =	shalt  }
0x58: {  	_ =	shalt  }
0x59: {  	_ =	shalt  }
0x5a: {  	_ =	shalt  }
0x5b: {  	_ =	shalt  }
0x5c: {  	_ =	shalt  }
0x5d: {  	_ =	shalt  }
0x5e: {  	_ =	shalt  }
0x5f: {  	_ =	shalt  }
0x60: {  	_ =	shalt  }
0x61: {  	_ =	shalt  }
0x62: {  	_ =	shalt  }
0x63: {  	_ =	shalt  }
0x64: {  	_ =	shalt  }
0x65: {  	_ =	shalt  }
0x66: {  	_ =	shalt  }
0x67: {  	_ =	shalt  }
0x68: {  	_ =	shalt  }
0x69: {  	_ =	shalt  }
0x6a: {  	_ =	shalt  }
0x6b: {  	_ =	shalt  }
0x6c: {  	_ =	shalt  }
0x6d: {  	_ =	shalt  }
0x6e: {  	_ =	shalt  }
0x6f: {  	_ =	shalt  }
0x70: {  	_ =	shalt  }
0x71: {  	_ =	shalt  }
0x72: {  	_ =	shalt  }
0x73: {  	_ =	shalt  }
0x74: {  	_ =	shalt  }
0x75: {  	_ =	shalt  }
0x76: {  	_ =	shalt  }
0x77: {  	_ =	shalt  }
0x78: {  	_ =	shalt  }
0x79: {  	_ =	shalt  }
0x7a: {  	_ =	shalt  }
0x7b: {  	_ =	shalt  }
0x7c: {  	_ =	shalt  }
0x7d: {  	_ =	shalt  }
0x7e: {  	_ =	shalt  }
0x7f: {  	_ =	shalt  }
0x80: {  	_ =	shalt  }
0x81: {  	_ =	shalt  }
0x82: {  	_ =	shalt  }
0x83: {  	_ =	shalt  }
0x84: {  	_ =	shalt  }
0x85: {  	_ =	shalt  }
0x86: {  	_ =	shalt  }
0x87: {  	_ =	shalt  }
.Lfunc_end0:
.L_simem_size_0:
called_computation_lowered:
.L_overlay_start_0:
0x88: {  	s2 =	sld [smem:$0x3FD9]  }
0x89: {  	s3 =	sld [smem:$0x3FFE];
	_ =	sdelay $0x1  }
0x8a: {  	s1 =	srdreg.scid  }
0x8b: {  	s0 =	sand.u32 $0x1, s1  }
0x8c: {  	s17 =	sshll.u32 s0, $0xA;
	s2 =	sadd.s32 s3, s2  }
0x8d: {  	s2 =	sadd.s32 s2, s17  }
0x8e: {  	[smem:$0x3FC6] =	sst s2  }
0x8f: {  	_ = 	snop  }
0x90: {  	s2 =	sld [smem:$0x3FC9]  }
0x91: {  	s18 =	sld [smem:$0x3FD0];
	(tm) =	ssettm $0x1  }
0x92: {  	s4 =	sld [smem:$0x3FFB];
	_ =	sdelay $0x3  }
0x93: {  	_ =	strace s4  }
0x94: {  	s4 =	sld [smem:$0x3FFC];
	_ =	sdelay $0x3  }
0x95: {  	_ =	strace s4  }
0x96: {  	s4 =	sld [smem:$0x3FFD];
	_ =	sdelay $0x3  }
0x97: {  	_ =	strace s4  }
0x98: {  	_ =	strace $0x8FFFFFFF  }
0x99: {  	s19 =	sld [smem:$0x3FDB];
	_ =	sdelay $0x1  }
0x9a: {  	s5 =	simm.s32 $_scs_section_size  }
0x9b: {  	s6 =	simm.s32 $_size__tile_overlayer_lowered;
	s7 =	simm.s32 $_tile_overlayer_lowered  }
0x9c: {  	s22 =	simm.s32 $0x1BFF;
	s21 =	sshll.u32 s7, $0x1;
	s4 =	sadd.s32 s5, s19  }
0x9d: {  	s8 =	simm.s32 $0x0;
	s20 =	sshll.u32 s6, $0x1;
	s6 =	sadd.s32 s21, s4  }
0x9e: {  	[timem:s8], [sflag:s22] =	dma.local [hbm:s6], s20  }
0x9f: {  	_ =	swait.ge [sflag:s22], s20  }
0xa0: {  	s5 =	ssub.s32 $0x0, s20;
	[sflag:s22] =	ssyncset.done $0x0  }
0xa1: {  	[sflag:s22] =	ssyncadd.s32 s5;
	_ =	sdelay $0x1  }
0xa2: {  	s23 =	simm.s32 $0x1B8B  }
0xa3: {  	_ =	swait.ge [sflag:s23], $0x1  }
0xa4: {  	[sflag:s23] =	ssyncset.done $0x0  }
0xa5: {  	s25 =	simm.s32 $0x1B8E;
	s24 =	sld [smem:$0x3FFE];
	[sflag:s23] =	ssyncadd.s32 $0xFFFFFFFF  }
0xa6: {  	s26 =	simm.s32 $execute0_lowered;
	[smem:$0x3FD2] =	sst s25  }
0xa7: {  	s6 =	sshll.u32 s26, $0x1;
	_ =	strace $0x80000046;
	[dreg:$0x1] =	wrdreg $0xFFFFFFFF  }
0xa8: {  	s28 =	simm.s32 $_size_execute0_lowered;
	s4 =	sadd.s32 s4, s6;
	[dreg:$0x0] =	wrdreg $0x0  }
0xa9: {  	s6 =	sshll.u32 s28, $0x1;
	[dreg:$0x2] =	wrdreg s4  }
0xaa: {  	[dreg:$0x3] =	wrdreg s6  }
0xab: {  	[dreg:$0x4] =	wrdreg $0xC0  }
0xac: {  	_ =	task [dreg:s8], $0x5FFFF  }
0xad: {  	[dreg:$0x1] =	wrdreg $0xFFFFFFFF  }
0xae: {  	[dreg:$0x0] =	wrdreg $0x60  }
0xaf: {  	[dreg:$0x2] =	wrdreg s2  }
0xb0: {  	[dreg:$0x3] =	wrdreg s24  }
0xb1: {  	[dreg:$0x4] =	wrdreg s18  }
0xb2: {  	[dreg:$0x5] =	wrdreg $0x9  }
0xb3: {  	_ =	task.clear_ibuf [dreg:s8], $0x6FFFF;
	_ =	strace $0x90000046  }
0xb4: {  	s29 =	simm.s32 $0x9;
	_ =	strace $0x80000048  }
0xb5: {  	_ =	swait.ge [sflag:s29], $0x1  }
0xb6: {  	[sflag:s29] =	ssyncadd.s32 $0xFFFFFFFF  }
0xb7: {  	_ =	strace $0x90000048  }
0xb8: {  	_ =	sfence  }
0xb9: {  	s30 =	sld [smem:$0x0];
	_ =	sdelay $0x2  }
0xba: {  	s31 =	sshll.u32 s1, $0xD;
	s1 =	sshrl.u32 s1, $0x2  }
0xbb: {  	s3 =	sand.u32 $0x4000, s31;
	s1 =	sadd.s32 s1, s30  }
0xbc: {  	s0 =	sor.u32 s3, s0;
	s1 =	sshll.u32 s1, $0x11  }
0xbd: {  	s0 =	sor.u32 s1, s0  }
0xbe: {  	s0 =	sadd.s32 $0x8F2B, s0  }
0xbf: {  	[sflag:s0] =	ssyncadd.remote.s32 $0x1  }
0xc0: {  	_ =	sfence.sel $0xFFFF  }
0xc1: {  	[dreg:$0x0] =	wrdreg $0xFFFFFFFF;
	(pc) =	sbr.abs _section_cstart, $3  }
0xc2: {  	[dreg:$0x1] =	wrdreg $0xFFFFFFFF  }
0xc3: {  	_ =	task.clear_ibuf [dreg:s8], $0x2FFFF;
	_ =	strace $0x9FFFFFFF  }
0xc4: {  	(tm) =	ssettm $0x7FFFFFFF  }
0xc5: {  	_ =	shalt  }
tec
execute0_lowered:
.L_overlay_start_1:
0x0: {  	(tag) =	ssettag $0x1  }
0x1: {  	s1 =	rddreg [dreg:$0x0]  }
0x2: {  	s4 =	rddreg [dreg:$0x1]  }
0x3: {  	s9 =	rddreg [dreg:$0x2]  }
0x4: {  	s0 =	rddreg [dreg:$0x3]  }
0x5: {  	s5 =	srdreg.scid;
	s2 =	stileid.u32  }
0x6: {  	s3 =	simm.s32 $0x0;
	s12 =	simm.s32 $0x3;
	s13 =	simm.s32 $0x4000  }
0x7: {  	s14 =	simm.s32 $0x1;
	s15 =	simm.s32 $0x2;
	s16 =	simm.s32 $0x4  }
0x8: {  	s17 =	simm.s32 $0x0;
	s5 =	sand.u32 $0x1, s5;
	s6 =	sshll.u32 s2, $0x1  }
0x9: {  	[smem:$0x7FF] =	sst s3;
	s4 =	sadd.s32 $0x1000, s4;
	s10 =	sor.u32 s5, s6  }
.Ltmp0:
0xa: {  	_ =	strace $0x80000047;
	s30 =	ssub.s32 $0x2, s5;
	(pc) =	sbr.rel .LBB2_1-.Ltmp0, $4  }
0xb: {  	s31 =	sshll.u32 s10, $0xF;
	s7 =	sshrl.u32 s30, $0x1;
	s8 =	sshll.u32 s10, $0x12  }
0xc: {  	s10 =	sshll.u32 s10, $0xC;
	s5 =	sadd.s32 s1, s31;
	s11 =	ssub.s32 s30, s7  }
0xd: {  	s7 =	sor.u32 $0x8000, s8;
	s8 =	sor.u32 $0xC000, s8;
	s9 =	sadd.s32 s9, s10  }
0xe: {  	v0 =	vimm.s32 $0x1;
	s6 =	sadd.s32 $0x800, s5;
	s10 =	smax.u32 s11, $0x1;
	s11 =	simm.s32 $0x8000  }
.LBB2_8:
0xf: {  	s17 =	sadd.s32 $0x1, s17  }
0x10: {  	p0 =	sne.s32 s17, s10  }
.Ltmp1:
0x11: {  	_ = 	snop;
	(pc) =	sbr.rel @!p0 .LBB2_9-.Ltmp1, $4  }
0x12: {  	[hbm4b:s9+s3] =	stream.linear.scatter [tilespmem:s11], [sflag:$0x4], $0x8000, $0x38;
	[tilespmem:$0x10000] =	vst v63  }
0x13: {  	_ =	swait.ge [sflag:s16], $0x8000  }
0x14: {  	[sflag:s16] =	ssyncset.done $0x0  }
0x15: {  	[sflag:s16] =	ssyncadd.s32 $0xFFFF8000  }
.LBB2_1:
0x16: {  	[tilespmem:s11], [sflag:$0x3] =	stream.linear.gather [hbm4b:s4+s3], $0x8000, $0x38;
	[tilespmem:$0x10000] =	vst v63  }
0x17: {  	_ =	swait.ge [sflag:s12], $0x8000  }
0x18: {  	[sflag:s12] =	ssyncset.done $0x0  }
0x19: {  	[sflag:s12] =	ssyncadd.s32 $0xFFFF8000  }
0x1a: {  	[tilespmem:s3], [sflag:$0x1] =	stream.linear.gather [hbm4b:s5+s3], $0x4000, $0x38;
	[tilespmem:$0x10000] =	vst v63  }
0x1b: {  	s18 =	simm.s32 $0x0  }
0x1c: {  	[tilespmem:s13], [sflag:$0x2] =	stream.linear.gather [hbm4b:s6+s3], $0x4000, $0x38;
	[tilespmem:$0x10000] =	vst v63  }
.LBB2_2:
0x1d: {  	_ =	swait.ge [sflag:s14], $0x4000  }
0x1e: {  	[sflag:s14] =	ssyncset.done $0x0  }
0x1f: {  	s19 =	simm.s32 $0x80;
	[sflag:s14] =	ssyncadd.s32 $0xFFFFC000  }
0x20: {  	v1 =	vld [tilespmem:s19+$0xFFFFFFA0]  }
0x21: {  	v2 =	vld [tilespmem:s19+$0xFFFFFFB0]  }
0x22: {  	v3 =	vld [tilespmem:s19+$0xFFFFFFC0]  }
0x23: {  	v4 =	vld [tilespmem:s19+$0xFFFFFFD0]  }
0x24: {  	v5 =	vld [tilespmem:s19+$0xFFFFFF80]  }
0x25: {  	v6 =	vld [tilespmem:s19+$0x70]  }
0x26: {  	v7 =	vld [tilespmem:s19+$0x60]  }
0x27: {  	v8 =	vld [tilespmem:s19+$0x50]  }
0x28: {  	v9 =	vld [tilespmem:s19+$0x40]  }
0x29: {  	v10 =	vld [tilespmem:s19+$0x30]  }
0x2a: {  	v11 =	vld [tilespmem:s19+$0x20];
	v5 =	vshrl.u32 v5, $0x10  }
0x2b: {  	v12 =	vld [tilespmem:s19+$0x10];
	v6 =	vshrl.u32 v6, $0x10;
	v5 =	vand.u32 $0x7FFF, v5  }
0x2c: {  	v15 =	vld [tilespmem:s19+$0xFFFFFFE0];
	v7 =	vshrl.u32 v7, $0x10;
	v6 =	vand.u32 $0x7FFF, v6  }
0x2d: {  	v13 =	vld [tilespmem:s19+$0x0];
	v8 =	vshrl.u32 v8, $0x10;
	v7 =	vand.u32 $0x7FFF, v7  }
0x2e: {  	v14 =	vld [tilespmem:s19+$0xFFFFFFF0];
	v10 =	vshrl.u32 v10, $0x10;
	v8 =	vand.u32 $0x7FFF, v8  }
0x2f: {  	v60 =	vld [tilespmem:s19+$0xFFFFFF90];
	v9 =	vshrl.u32 v9, $0x10;
	v56 =	vand.u32 $0x7FFF, v10  }
0x30: {  	v57 =	vshrl.u32 v12, $0x10;
	v9 =	vand.u32 $0x7FFF, v9;
	[tilespmem:v5+s11+$0x0] =	vst.idx.add.s32.msk $0xffff, v0  }
0x31: {  	v61 =	vshrl.u32 v15, $0x10;
	v10 =	vand.u32 $0x7FFF, v57;
	[tilespmem:v6+s11+$0x0] =	vst.idx.add.s32.msk $0xffff, v0  }
0x32: {  	v59 =	vshrl.u32 v11, $0x10;
	v4 =	vshrl.u32 v4, $0x10;
	v11 =	vand.u32 $0x7FFF, v61;
	[tilespmem:v7+s11+$0x0] =	vst.idx.add.s32.msk $0xffff, v0  }
0x33: {  	v2 =	vshrl.u32 v2, $0x10;
	v4 =	vand.u32 $0x7FFF, v4;
	[tilespmem:v8+s11+$0x0] =	vst.idx.add.s32.msk $0xffff, v0  }
0x34: {  	v1 =	vshrl.u32 v1, $0x10;
	v2 =	vand.u32 $0x7FFF, v2;
	[tilespmem:v56+s11+$0x0] =	vst.idx.add.s32.msk $0xffff, v0  }
0x35: {  	v58 =	vshrl.u32 v13, $0x10;
	v63 =	vand.u32 $0x7FFF, v1;
	[tilespmem:v9+s11+$0x0] =	vst.idx.add.s32.msk $0xffff, v0  }
0x36: {  	v6 =	vand.u32 $0x7FFF, v58;
	[tilespmem:v10+s11+$0x0] =	vst.idx.add.s32.msk $0xffff, v0  }
0x37: {  	v62 =	vshrl.u32 v14, $0x10;
	v7 =	vand.u32 $0x7FFF, v59;
	[tilespmem:v11+s11+$0x0] =	vst.idx.add.s32.msk $0xffff, v0  }
0x38: {  	v1 =	vshrl.u32 v3, $0x10;
	v3 =	vshrl.u32 v60, $0x10;
	v5 =	vand.u32 $0x7FFF, v62;
	[tilespmem:v4+s11+$0x0] =	vst.idx.add.s32.msk $0xffff, v0  }
0x39: {  	[tilespmem:v2+s11+$0x0] =	vst.idx.add.s32.msk $0xffff, v0;
	v2 =	vand.u32 $0x7FFF, v3  }
0x3a: {  	v1 =	vand.u32 $0x7FFF, v1;
	[tilespmem:v63+s11+$0x0] =	vst.idx.add.s32.msk $0xffff, v0  }
0x3b: {  	[tilespmem:v6+s11+$0x0] =	vst.idx.add.s32.msk $0xffff, v0  }
0x3c: {  	[tilespmem:v7+s11+$0x0] =	vst.idx.add.s32.msk $0xffff, v0  }
0x3d: {  	s20 =	simm.s32 $0x0;
	[tilespmem:v5+s11+$0x0] =	vst.idx.add.s32.msk $0xffff, v0  }
.LBB2_3:
0x3e: {  	s20 =	sadd.s32 $0x10, s20;
	[tilespmem:v2+s11+$0x0] =	vst.idx.add.s32.msk $0xffff, v0;
	s19 =	sadd.s32 $0x100, s19  }
0x3f: {  	p0 =	slt.u32 s20, $0x3F0;
	[tilespmem:v1+s11+$0x0] =	vst.idx.add.s32.msk $0xffff, v0  }
0x40: {  	v2 =	vld [tilespmem:s19+$0xFFFFFFA0]  }
0x41: {  	v1 =	vld [tilespmem:s19+$0xFFFFFFB0]  }
0x42: {  	v3 =	vld [tilespmem:s19+$0xFFFFFFC0]  }
0x43: {  	v4 =	vld [tilespmem:s19+$0xFFFFFFD0]  }
0x44: {  	v5 =	vld [tilespmem:s19+$0xFFFFFF80]  }
0x45: {  	v6 =	vld [tilespmem:s19+$0x70]  }
0x46: {  	v7 =	vld [tilespmem:s19+$0x60]  }
0x47: {  	v8 =	vld [tilespmem:s19+$0x50]  }
0x48: {  	v9 =	vld [tilespmem:s19+$0x40]  }
0x49: {  	v5 =	vshrl.u32 v5, $0x10;
	v10 =	vld [tilespmem:s19+$0x30]  }
0x4a: {  	v5 =	vand.u32 $0x7FFF, v5;
	v11 =	vld [tilespmem:s19+$0x20];
	v6 =	vshrl.u32 v6, $0x10  }
0x4b: {  	v12 =	vld [tilespmem:s19+$0x10];
	v7 =	vshrl.u32 v7, $0x10;
	v6 =	vand.u32 $0x7FFF, v6  }
0x4c: {  	v13 =	vld [tilespmem:s19+$0x0];
	v8 =	vshrl.u32 v8, $0x10;
	v7 =	vand.u32 $0x7FFF, v7  }
0x4d: {  	v14 =	vld [tilespmem:s19+$0xFFFFFFF0];
	v9 =	vshrl.u32 v9, $0x10;
	v8 =	vand.u32 $0x7FFF, v8  }
0x4e: {  	v15 =	vld [tilespmem:s19+$0xFFFFFFE0];
	v10 =	vshrl.u32 v10, $0x10  }
0x4f: {  	[tilespmem:v5+s11+$0x0] =	vst.idx.add.s32.msk $0xffff, v0;
	v5 =	vshrl.u32 v11, $0x10;
	v10 =	vand.u32 $0x7FFF, v10  }
0x50: {  	v9 =	vand.u32 $0x7FFF, v9;
	v11 =	vshrl.u32 v12, $0x10;
	v5 =	vand.u32 $0x7FFF, v5;
	[tilespmem:v6+s11+$0x0] =	vst.idx.add.s32.msk $0xffff, v0  }
0x51: {  	v6 =	vshrl.u32 v13, $0x10;
	v11 =	vand.u32 $0x7FFF, v11;
	[tilespmem:v7+s11+$0x0] =	vst.idx.add.s32.msk $0xffff, v0  }
0x52: {  	v7 =	vshrl.u32 v14, $0x10;
	v6 =	vand.u32 $0x7FFF, v6;
	[tilespmem:v8+s11+$0x0] =	vst.idx.add.s32.msk $0xffff, v0  }
0x53: {  	v8 =	vld [tilespmem:s19+$0xFFFFFF90];
	v12 =	vshrl.u32 v15, $0x10;
	v7 =	vand.u32 $0x7FFF, v7  }
0x54: {  	v4 =	vshrl.u32 v4, $0x10;
	v12 =	vand.u32 $0x7FFF, v12;
	[tilespmem:v10+s11+$0x0] =	vst.idx.add.s32.msk $0xffff, v0  }
0x55: {  	v3 =	vshrl.u32 v3, $0x10;
	v4 =	vand.u32 $0x7FFF, v4;
	[tilespmem:v9+s11+$0x0] =	vst.idx.add.s32.msk $0xffff, v0  }
0x56: {  	v9 =	vshrl.u32 v1, $0x10;
	v1 =	vand.u32 $0x7FFF, v3;
	[tilespmem:v11+s11+$0x0] =	vst.idx.add.s32.msk $0xffff, v0  }
0x57: {  	v2 =	vshrl.u32 v2, $0x10;
	v3 =	vand.u32 $0x7FFF, v9;
	[tilespmem:v6+s11+$0x0] =	vst.idx.add.s32.msk $0xffff, v0  }
0x58: {  	v6 =	vshrl.u32 v8, $0x10;
	v8 =	vand.u32 $0x7FFF, v2;
	[tilespmem:v5+s11+$0x0] =	vst.idx.add.s32.msk $0xffff, v0  }
.Ltmp2:
0x59: {  	v2 =	vand.u32 $0x7FFF, v6;
	[tilespmem:v12+s11+$0x0] =	vst.idx.add.s32.msk $0xffff, v0;
	(pc) =	sbr.rel @p0 .LBB2_3-.Ltmp2, $4  }
0x5a: {  	[tilespmem:v4+s11+$0x0] =	vst.idx.add.s32.msk $0xffff, v0  }
0x5b: {  	[tilespmem:v7+s11+$0x0] =	vst.idx.add.s32.msk $0xffff, v0  }
0x5c: {  	[tilespmem:v3+s11+$0x0] =	vst.idx.add.s32.msk $0xffff, v0  }
0x5d: {  	[tilespmem:v8+s11+$0x0] =	vst.idx.add.s32.msk $0xffff, v0  }
0x5e: {  	_ =	sdelay $0x1  }
0x5f: {  	s19 =	sshll.u32 s18, $0xF;
	p0 =	seq.s32 s18, $0x7  }
0x60: {  	s20 =	sadd.s32 @!p0 s19, s7  }
0x61: {  	[tilespmem:v2+s11+$0x0] =	vst.idx.add.s32.msk $0xffff, v0;
	s20 =	sshrl.u32 @!p0 s20, $0x3  }
0x62: {  	[tilespmem:v1+s11+$0x0] =	vst.idx.add.s32.msk $0xffff, v0;
	s21 =	simm.s32 @!p0 $0x0;
	s20 =	sadd.s32 @!p0 s1, s20  }
0x63: {  	[tilespmem:s21], [sflag:$0x1] =	stream.linear.gather @!p0 [hbm4b:s20+s21], $0x4000, $0x38;
	[tilespmem:$0x10000] =	vst v63  }
0x64: {  	_ =	swait.ge [sflag:s15], $0x4000  }
0x65: {  	[sflag:s15] =	ssyncset.done $0x0  }
0x66: {  	s20 =	simm.s32 $0x4080;
	[sflag:s15] =	ssyncadd.s32 $0xFFFFC000  }
0x67: {  	v1 =	vld [tilespmem:s20+$0xFFFFFFA0]  }
0x68: {  	v2 =	vld [tilespmem:s20+$0xFFFFFFB0]  }
0x69: {  	v3 =	vld [tilespmem:s20+$0xFFFFFFC0]  }
0x6a: {  	v4 =	vld [tilespmem:s20+$0xFFFFFFD0]  }
0x6b: {  	v5 =	vld [tilespmem:s20+$0xFFFFFF80]  }
0x6c: {  	v6 =	vld [tilespmem:s20+$0x70]  }
0x6d: {  	v7 =	vld [tilespmem:s20+$0x60]  }
0x6e: {  	v8 =	vld [tilespmem:s20+$0x50]  }
0x6f: {  	v9 =	vld [tilespmem:s20+$0x40]  }
0x70: {  	v10 =	vld [tilespmem:s20+$0x30]  }
0x71: {  	v11 =	vld [tilespmem:s20+$0x20];
	v5 =	vshrl.u32 v5, $0x10  }
0x72: {  	v12 =	vld [tilespmem:s20+$0x10];
	v6 =	vshrl.u32 v6, $0x10;
	v5 =	vand.u32 $0x7FFF, v5  }
0x73: {  	v15 =	vld [tilespmem:s20+$0xFFFFFFE0];
	v7 =	vshrl.u32 v7, $0x10;
	v6 =	vand.u32 $0x7FFF, v6  }
0x74: {  	v13 =	vld [tilespmem:s20+$0x0];
	v8 =	vshrl.u32 v8, $0x10;
	v7 =	vand.u32 $0x7FFF, v7  }
0x75: {  	v14 =	vld [tilespmem:s20+$0xFFFFFFF0];
	v10 =	vshrl.u32 v10, $0x10;
	v8 =	vand.u32 $0x7FFF, v8  }
0x76: {  	v60 =	vld [tilespmem:s20+$0xFFFFFF90];
	v9 =	vshrl.u32 v9, $0x10;
	v56 =	vand.u32 $0x7FFF, v10  }
0x77: {  	v57 =	vshrl.u32 v12, $0x10;
	v9 =	vand.u32 $0x7FFF, v9;
	[tilespmem:v5+s11+$0x0] =	vst.idx.add.s32.msk $0xffff, v0  }
0x78: {  	v61 =	vshrl.u32 v15, $0x10;
	v10 =	vand.u32 $0x7FFF, v57;
	[tilespmem:v6+s11+$0x0] =	vst.idx.add.s32.msk $0xffff, v0  }
0x79: {  	v59 =	vshrl.u32 v11, $0x10;
	v4 =	vshrl.u32 v4, $0x10;
	v11 =	vand.u32 $0x7FFF, v61;
	[tilespmem:v7+s11+$0x0] =	vst.idx.add.s32.msk $0xffff, v0  }
0x7a: {  	v2 =	vshrl.u32 v2, $0x10;
	v4 =	vand.u32 $0x7FFF, v4;
	[tilespmem:v8+s11+$0x0] =	vst.idx.add.s32.msk $0xffff, v0  }
0x7b: {  	v1 =	vshrl.u32 v1, $0x10;
	v2 =	vand.u32 $0x7FFF, v2;
	[tilespmem:v56+s11+$0x0] =	vst.idx.add.s32.msk $0xffff, v0  }
0x7c: {  	v58 =	vshrl.u32 v13, $0x10;
	v63 =	vand.u32 $0x7FFF, v1;
	[tilespmem:v9+s11+$0x0] =	vst.idx.add.s32.msk $0xffff, v0  }
0x7d: {  	v6 =	vand.u32 $0x7FFF, v58;
	[tilespmem:v10+s11+$0x0] =	vst.idx.add.s32.msk $0xffff, v0  }
0x7e: {  	v62 =	vshrl.u32 v14, $0x10;
	v7 =	vand.u32 $0x7FFF, v59;
	[tilespmem:v11+s11+$0x0] =	vst.idx.add.s32.msk $0xffff, v0  }
0x7f: {  	v1 =	vshrl.u32 v3, $0x10;
	v3 =	vshrl.u32 v60, $0x10;
	v5 =	vand.u32 $0x7FFF, v62;
	[tilespmem:v4+s11+$0x0] =	vst.idx.add.s32.msk $0xffff, v0  }
0x80: {  	[tilespmem:v2+s11+$0x0] =	vst.idx.add.s32.msk $0xffff, v0;
	v2 =	vand.u32 $0x7FFF, v3  }
0x81: {  	v1 =	vand.u32 $0x7FFF, v1;
	[tilespmem:v63+s11+$0x0] =	vst.idx.add.s32.msk $0xffff, v0  }
0x82: {  	[tilespmem:v6+s11+$0x0] =	vst.idx.add.s32.msk $0xffff, v0  }
0x83: {  	[tilespmem:v7+s11+$0x0] =	vst.idx.add.s32.msk $0xffff, v0  }
0x84: {  	s21 =	simm.s32 $0x0;
	[tilespmem:v5+s11+$0x0] =	vst.idx.add.s32.msk $0xffff, v0  }
.LBB2_5:
0x85: {  	s21 =	sadd.s32 $0x10, s21;
	[tilespmem:v2+s11+$0x0] =	vst.idx.add.s32.msk $0xffff, v0;
	s20 =	sadd.s32 $0x100, s20  }
0x86: {  	p1 =	slt.u32 s21, $0x3F0;
	[tilespmem:v1+s11+$0x0] =	vst.idx.add.s32.msk $0xffff, v0  }
0x87: {  	v2 =	vld [tilespmem:s20+$0xFFFFFFA0]  }
0x88: {  	v1 =	vld [tilespmem:s20+$0xFFFFFFB0]  }
0x89: {  	v3 =	vld [tilespmem:s20+$0xFFFFFFC0]  }
0x8a: {  	v4 =	vld [tilespmem:s20+$0xFFFFFFD0]  }
0x8b: {  	v5 =	vld [tilespmem:s20+$0xFFFFFF80]  }
0x8c: {  	v6 =	vld [tilespmem:s20+$0x70]  }
0x8d: {  	v7 =	vld [tilespmem:s20+$0x60]  }
0x8e: {  	v8 =	vld [tilespmem:s20+$0x50]  }
0x8f: {  	v9 =	vld [tilespmem:s20+$0x40]  }
0x90: {  	v5 =	vshrl.u32 v5, $0x10;
	v10 =	vld [tilespmem:s20+$0x30]  }
0x91: {  	v5 =	vand.u32 $0x7FFF, v5;
	v11 =	vld [tilespmem:s20+$0x20];
	v6 =	vshrl.u32 v6, $0x10  }
0x92: {  	v12 =	vld [tilespmem:s20+$0x10];
	v7 =	vshrl.u32 v7, $0x10;
	v6 =	vand.u32 $0x7FFF, v6  }
0x93: {  	v13 =	vld [tilespmem:s20+$0x0];
	v8 =	vshrl.u32 v8, $0x10;
	v7 =	vand.u32 $0x7FFF, v7  }
0x94: {  	v14 =	vld [tilespmem:s20+$0xFFFFFFF0];
	v9 =	vshrl.u32 v9, $0x10;
	v8 =	vand.u32 $0x7FFF, v8  }
0x95: {  	v15 =	vld [tilespmem:s20+$0xFFFFFFE0];
	v10 =	vshrl.u32 v10, $0x10  }
0x96: {  	[tilespmem:v5+s11+$0x0] =	vst.idx.add.s32.msk $0xffff, v0;
	v5 =	vshrl.u32 v11, $0x10;
	v10 =	vand.u32 $0x7FFF, v10  }
0x97: {  	v9 =	vand.u32 $0x7FFF, v9;
	v11 =	vshrl.u32 v12, $0x10;
	v5 =	vand.u32 $0x7FFF, v5;
	[tilespmem:v6+s11+$0x0] =	vst.idx.add.s32.msk $0xffff, v0  }
0x98: {  	v6 =	vshrl.u32 v13, $0x10;
	v11 =	vand.u32 $0x7FFF, v11;
	[tilespmem:v7+s11+$0x0] =	vst.idx.add.s32.msk $0xffff, v0  }
0x99: {  	v7 =	vshrl.u32 v14, $0x10;
	v6 =	vand.u32 $0x7FFF, v6;
	[tilespmem:v8+s11+$0x0] =	vst.idx.add.s32.msk $0xffff, v0  }
0x9a: {  	v8 =	vld [tilespmem:s20+$0xFFFFFF90];
	v12 =	vshrl.u32 v15, $0x10;
	v7 =	vand.u32 $0x7FFF, v7  }
0x9b: {  	v4 =	vshrl.u32 v4, $0x10;
	v12 =	vand.u32 $0x7FFF, v12;
	[tilespmem:v10+s11+$0x0] =	vst.idx.add.s32.msk $0xffff, v0  }
0x9c: {  	v3 =	vshrl.u32 v3, $0x10;
	v4 =	vand.u32 $0x7FFF, v4;
	[tilespmem:v9+s11+$0x0] =	vst.idx.add.s32.msk $0xffff, v0  }
0x9d: {  	v9 =	vshrl.u32 v1, $0x10;
	v1 =	vand.u32 $0x7FFF, v3;
	[tilespmem:v11+s11+$0x0] =	vst.idx.add.s32.msk $0xffff, v0  }
0x9e: {  	v2 =	vshrl.u32 v2, $0x10;
	v3 =	vand.u32 $0x7FFF, v9;
	[tilespmem:v6+s11+$0x0] =	vst.idx.add.s32.msk $0xffff, v0  }
0x9f: {  	v6 =	vshrl.u32 v8, $0x10;
	v8 =	vand.u32 $0x7FFF, v2;
	[tilespmem:v5+s11+$0x0] =	vst.idx.add.s32.msk $0xffff, v0  }
.Ltmp3:
0xa0: {  	v2 =	vand.u32 $0x7FFF, v6;
	[tilespmem:v12+s11+$0x0] =	vst.idx.add.s32.msk $0xffff, v0;
	(pc) =	sbr.rel @p1 .LBB2_5-.Ltmp3, $4  }
0xa1: {  	[tilespmem:v4+s11+$0x0] =	vst.idx.add.s32.msk $0xffff, v0  }
0xa2: {  	[tilespmem:v7+s11+$0x0] =	vst.idx.add.s32.msk $0xffff, v0  }
0xa3: {  	[tilespmem:v3+s11+$0x0] =	vst.idx.add.s32.msk $0xffff, v0  }
0xa4: {  	[tilespmem:v8+s11+$0x0] =	vst.idx.add.s32.msk $0xffff, v0  }
0xa5: {  	_ = 	snop  }
.Ltmp4:
0xa6: {  	_ = 	snop;
	(pc) =	sbr.rel @p0 .LBB2_8-.Ltmp4, $3  }
0xa7: {  	_ =	sdelay $0x1  }
0xa8: {  	[tilespmem:v2+s11+$0x0] =	vst.idx.add.s32.msk $0xffff, v0  }
0xa9: {  	[tilespmem:v1+s11+$0x0] =	vst.idx.add.s32.msk $0xffff, v0  }
.Ltmp5:
0xaa: {  	(pc) =	sbr.rel .LBB2_2-.Ltmp5, $4  }
0xab: {  	s19 =	sadd.s32 s19, s8  }
0xac: {  	s19 =	sshrl.u32 s19, $0x3  }
0xad: {  	s18 =	sadd.s32 $0x1, s18;
	s19 =	sadd.s32 s1, s19  }
0xae: {  	[tilespmem:s13], [sflag:$0x2] =	stream.linear.gather [hbm4b:s19+s3], $0x4000, $0x38;
	[tilespmem:$0x10000] =	vst v63  }
.LBB2_9:
0xaf: {  	_ =	sfence.sel $0x180000  }
0xb0: {  	[bflag:$0x0] =	sbarrier.arrive $0xFFFF  }
0xb1: {  	p0 =	sne.s32 s2, $0x0;
	_ =	strace $0x90000047  }
0xb2: {  	s0 =	sadd.s32 @!p0 $0x100000, s0;
	[bflag:$0x2] =	sbarrier.arrive $0xFFFF  }
0xb3: {  	[sflag:s0] =	ssyncadd.tile.s32 @!p0 $0x1;
	_ =	shalt  }
.Lfunc_end2:
_tile_overlayer_lowered:
.L_overlay_start_2:
0xb4: {  	(tag) =	ssettag $0x2  }
0xb5: {  	s0 =	rddreg [dreg:$0x0];
	s2 =	stileid.u32  }
0xb6: {  	s1 =	rddreg [dreg:$0x1];
	p0 =	sne.s32 s2, $0x0  }
0xb7: {  	s3 =	rddreg [dreg:$0x2];
	[bflag:$0x3] =	sbarrier.arrive $0xFFFF;
	s2 =	simm.s32 @!p0 $0x1C04  }
0xb8: {  	[timem:s3], [sflag:s2] =	dma.local @!p0 [hbm:s0], s1  }
0xb9: {  	s0 =	simm.s32 @!p0 $0x4  }
0xba: {  	_ =	swait.ge @!p0 [sflag:s0], s1  }
0xbb: {  	s1 =	ssub.s32 @!p0 $0x0, s1;
	[sflag:s0] =	ssyncset.done @!p0 $0x0  }
0xbc: {  	[sflag:s0] =	ssyncadd.s32 @!p0 s1  }
0xbd: {  	[bflag:$0x3] =	sbarrier.arrive $0xFFFF  }
0xbe: {  	_ =	shalt  }

// kernel: kernel.9.cloned.1.call-start
scs
__scs_entry_jumppad:
0x0: {  	(pc) =	sbr.rel $0x88, $3  }
0x1: {  	(tag) =	ssettag $0x0;
	lr =	simm.s32 $0x1  }
0x2: {  	[smem:$0x3F9F] =	sst lr;
	_ =	strace $0xD0000000  }
0x3: {  	_ = 	snop  }
0x4: {  	_ = 	snop  }
0x5: {  	_ = 	snop  }
0x6: {  	_ = 	snop  }
0x7: {  	_ = 	snop  }
__scs_overlays_trampoline_lowered:
0x8: {  	[smem:$0x3FAE] =	sst s0  }
0x9: {  	[smem:$0x3FAF] =	sst s1  }
0xa: {  	[smem:$0x3FB0] =	sst s2  }
0xb: {  	[smem:$0x3FB1] =	sst s3  }
0xc: {  	[smem:$0x3FB2] =	sst s4  }
0xd: {  	[smem:$0x3FB3] =	sst s5  }
0xe: {  	[smem:$0x3FB4] =	sst s6  }
0xf: {  	[smem:$0x3FB5] =	sst s7  }
0x10: {  	[smem:$0x3FB6] =	sst s8  }
0x11: {  	[smem:$0x3FB7] =	sst s9;
	s0 =	simm.s32 @!p0 $0x0  }
0x12: {  	s1 =	sld [smem:$0x3F9D];
	s0 =	simm.s32 @p0 $0x1  }
0x13: {  	[smem:$0x3FB8] =	sst s0;
	s0 =	simm.s32 @!p1 $0x0  }
0x14: {  	s2 =	sld [smem:$0x3F9C];
	s0 =	simm.s32 @p1 $0x1  }
0x15: {  	[smem:$0x3FB9] =	sst s0;
	s0 =	simm.s32 @!p2 $0x0  }
0x16: {  	s3 =	sld [smem:$0x3FDB];
	s0 =	simm.s32 @p2 $0x1  }
0x17: {  	s4 =	simm.s32 $0x1BF5;
	[smem:$0x3FBB] =	sst s0  }
0x18: {  	s0 =	sld [smem:$0x3F9E];
	_ =	swait.ge [sflag:s4], $0x0  }
0x19: {  	s7 =	sld [smem:$0x3F9F]  }
0x1a: {  	s8 =	sadd.s32 $0xFFFFE003, lr  }
0x1b: {  	s9 =	sadd.s32 $0xFFFFFEF7, lr;
	s5 =	simm.s32 $0xFFFFFFFF;
	p2 =	slt.u32 s8, $0xFFFFF086  }
0x1c: {  	p1 =	slt.u32 s9, $0xF7A;
	s5 =	simm.s32 @!p2 $0x0  }
0x1d: {  	s5 =	simm.s32 @p1 $0x1;
	p0 =	seq.s32 s7, s2  }
0x1e: {  	s7 =	smul.u32 @!p0 $0xF7A, s2;
	p2 =	seq.s32 @!p0 s5, $0x0  }
0x1f: {  	s9 =	smul.u32 $0xF7A, s1;
	s8 =	simm.s32 @!p0 $0x1BF5;
	p2 =	por !p2, p0  }
0x20: {  	[sflag:s8] =	ssyncset.s32 @!p0 $0xFFFFF086;
	s6 =	sadd.s32 @!p0 s3, s7;
	s7 =	simm.s32 @!p0 $0x108  }
0x21: {  	s3 =	sadd.s32 s3, s9;
	s6 =	sadd.s32 @!p0 $0x88, s6;
	s7 =	simm.s32 @p2 $0x1082  }
0x22: {  	[simem:s7], [sflag:s8] =	dma.local @!p0 [hbm:s6], $0xF7A  }
0x23: {  	s9 =	sor.u32 $0xD0000000, s2;
	s6 =	simm.s32 $0x108;
	_ =	swait.ge @!p0 [sflag:s8], $0x0  }
0x24: {  	s3 =	sadd.s32 $0x88, s3;
	s6 =	simm.s32 @!p1 $0x1082;
	[sflag:s4] =	ssyncset.s32 $0xFFFFF086  }
0x25: {  	[simem:s6], [sflag:s4] =	dma.local [hbm:s3], $0xF7A  }
0x26: {  	[smem:$0x3F9F] =	sst s1;
	(tag) =	ssettag s2;
	_ =	strace s9  }
0x27: {  	s1 =	sld [smem:$0x3FAF]  }
0x28: {  	s2 =	sld [smem:$0x3FB0]  }
0x29: {  	s4 =	sld [smem:$0x3FB2]  }
0x2a: {  	p0 =	seq.s32 s5, $0x0;
	s5 =	sld [smem:$0x3FB3]  }
0x2b: {  	s6 =	sld [smem:$0x3FB4]  }
0x2c: {  	s7 =	sld [smem:$0x3FB5]  }
0x2d: {  	s3 =	simm.s32 $0x108;
	s8 =	sld [smem:$0x3FB6]  }
0x2e: {  	s3 =	simm.s32 @!p0 $0x1082;
	s9 =	sld [smem:$0x3FB7]  }
0x2f: {  	lr =	sadd.s32 s0, s3;
	s0 =	sld [smem:$0x3FAE]  }
0x30: {  	s3 =	sld [smem:$0x3FB1]  }
0x31: {  	[smem:$0x3FBA] =	sst s10  }
0x32: {  	s10 =	sld [smem:$0x3FB8];
	_ =	sdelay $0x3  }
0x33: {  	p0 =	seq.s32 s10, $0x1;
	s10 =	sld [smem:$0x3FBA];
	_ =	sdelay $0x3  }
0x34: {  	[smem:$0x3FBA] =	sst s10  }
0x35: {  	s10 =	sld [smem:$0x3FB9];
	_ =	sdelay $0x3  }
0x36: {  	p1 =	seq.s32 s10, $0x1;
	s10 =	sld [smem:$0x3FBA];
	_ =	sdelay $0x3  }
0x37: {  	[smem:$0x3FBA] =	sst s10  }
0x38: {  	s10 =	sld [smem:$0x3FBB]  }
0x39: {  	_ = 	snop;
	(pc) =	sbr.ind lr, $3  }
0x3a: {  	_ = 	snop  }
0x3b: {  	_ = 	snop  }
0x3c: {  	p2 =	seq.s32 s10, $0x1;
	s10 =	sld [smem:$0x3FBA]  }
0x3d: {  	_ =	shalt  }
0x3e: {  	_ =	shalt  }
0x3f: {  	_ =	shalt  }
0x40: {  	_ =	shalt  }
0x41: {  	_ =	shalt  }
0x42: {  	_ =	shalt  }
0x43: {  	_ =	shalt  }
0x44: {  	_ =	shalt  }
0x45: {  	_ =	shalt  }
0x46: {  	_ =	shalt  }
0x47: {  	_ =	shalt  }
0x48: {  	_ =	shalt  }
0x49: {  	_ =	shalt  }
0x4a: {  	_ =	shalt  }
0x4b: {  	_ =	shalt  }
0x4c: {  	_ =	shalt  }
0x4d: {  	_ =	shalt  }
0x4e: {  	_ =	shalt  }
0x4f: {  	_ =	shalt  }
0x50: {  	_ =	shalt  }
0x51: {  	_ =	shalt  }
0x52: {  	_ =	shalt  }
0x53: {  	_ =	shalt  }
0x54: {  	_ =	shalt  }
0x55: {  	_ =	shalt  }
0x56: {  	_ =	shalt  }
0x57: {  	_ =	shalt  }
0x58: {  	_ =	shalt  }
0x59: {  	_ =	shalt  }
0x5a: {  	_ =	shalt  }
0x5b: {  	_ =	shalt  }
0x5c: {  	_ =	shalt  }
0x5d: {  	_ =	shalt  }
0x5e: {  	_ =	shalt  }
0x5f: {  	_ =	shalt  }
0x60: {  	_ =	shalt  }
0x61: {  	_ =	shalt  }
0x62: {  	_ =	shalt  }
0x63: {  	_ =	shalt  }
0x64: {  	_ =	shalt  }
0x65: {  	_ =	shalt  }
0x66: {  	_ =	shalt  }
0x67: {  	_ =	shalt  }
0x68: {  	_ =	shalt  }
0x69: {  	_ =	shalt  }
0x6a: {  	_ =	shalt  }
0x6b: {  	_ =	shalt  }
0x6c: {  	_ =	shalt  }
0x6d: {  	_ =	shalt  }
0x6e: {  	_ =	shalt  }
0x6f: {  	_ =	shalt  }
0x70: {  	_ =	shalt  }
0x71: {  	_ =	shalt  }
0x72: {  	_ =	shalt  }
0x73: {  	_ =	shalt  }
0x74: {  	_ =	shalt  }
0x75: {  	_ =	shalt  }
0x76: {  	_ =	shalt  }
0x77: {  	_ =	shalt  }
0x78: {  	_ =	shalt  }
0x79: {  	_ =	shalt  }
0x7a: {  	_ =	shalt  }
0x7b: {  	_ =	shalt  }
0x7c: {  	_ =	shalt  }
0x7d: {  	_ =	shalt  }
0x7e: {  	_ =	shalt  }
0x7f: {  	_ =	shalt  }
0x80: {  	_ =	shalt  }
0x81: {  	_ =	shalt  }
0x82: {  	_ =	shalt  }
0x83: {  	_ =	shalt  }
0x84: {  	_ =	shalt  }
0x85: {  	_ =	shalt  }
0x86: {  	_ =	shalt  }
0x87: {  	_ =	shalt  }
.Lfunc_end0:
.L_simem_size_0:
called_computation.1_lowered:
.L_overlay_start_0:
0x88: {  	s2 =	sld [smem:$0x3FD9]  }
0x89: {  	s3 =	sld [smem:$0x3FFE];
	_ =	sdelay $0x1  }
0x8a: {  	s1 =	srdreg.scid  }
0x8b: {  	s0 =	sand.u32 $0x1, s1  }
0x8c: {  	s17 =	sshll.u32 s0, $0xA;
	s2 =	sadd.s32 s3, s2  }
0x8d: {  	s2 =	sadd.s32 s2, s17  }
0x8e: {  	[smem:$0x3FC6] =	sst s2  }
0x8f: {  	_ = 	snop  }
0x90: {  	s2 =	sld [smem:$0x3FC9]  }
0x91: {  	s18 =	sld [smem:$0x3FD0];
	(tm) =	ssettm $0x1  }
0x92: {  	s4 =	sld [smem:$0x3FFB];
	_ =	sdelay $0x3  }
0x93: {  	_ =	strace s4  }
0x94: {  	s4 =	sld [smem:$0x3FFC];
	_ =	sdelay $0x3  }
0x95: {  	_ =	strace s4  }
0x96: {  	s4 =	sld [smem:$0x3FFD];
	_ =	sdelay $0x3  }
0x97: {  	_ =	strace s4  }
0x98: {  	_ =	strace $0x8FFFFFFF  }
0x99: {  	s19 =	sld [smem:$0x3FDB];
	_ =	sdelay $0x1  }
0x9a: {  	s5 =	simm.s32 $_scs_section_size  }
0x9b: {  	s6 =	simm.s32 $_size__tile_overlayer_lowered;
	s7 =	simm.s32 $_tile_overlayer_lowered  }
0x9c: {  	s22 =	simm.s32 $0x1BFF;
	s21 =	sshll.u32 s7, $0x1;
	s4 =	sadd.s32 s5, s19  }
0x9d: {  	s8 =	simm.s32 $0x0;
	s20 =	sshll.u32 s6, $0x1;
	s6 =	sadd.s32 s21, s4  }
0x9e: {  	[timem:s8], [sflag:s22] =	dma.local [hbm:s6], s20  }
0x9f: {  	_ =	swait.ge [sflag:s22], s20  }
0xa0: {  	s5 =	ssub.s32 $0x0, s20;
	[sflag:s22] =	ssyncset.done $0x0  }
0xa1: {  	[sflag:s22] =	ssyncadd.s32 s5;
	_ =	sdelay $0x1  }
0xa2: {  	s23 =	simm.s32 $0x1B8B  }
0xa3: {  	_ =	swait.ge [sflag:s23], $0x1  }
0xa4: {  	[sflag:s23] =	ssyncset.done $0x0  }
0xa5: {  	s25 =	simm.s32 $0x1B8E;
	s24 =	sld [smem:$0x3FFE];
	[sflag:s23] =	ssyncadd.s32 $0xFFFFFFFF  }
0xa6: {  	s26 =	simm.s32 $execute0_lowered;
	[smem:$0x3FD2] =	sst s25  }
0xa7: {  	s6 =	sshll.u32 s26, $0x1;
	_ =	strace $0x80000049;
	[dreg:$0x1] =	wrdreg $0xFFFFFFFF  }
0xa8: {  	s28 =	simm.s32 $_size_execute0_lowered;
	s4 =	sadd.s32 s4, s6;
	[dreg:$0x0] =	wrdreg $0x0  }
0xa9: {  	s6 =	sshll.u32 s28, $0x1;
	[dreg:$0x2] =	wrdreg s4  }
0xaa: {  	[dreg:$0x3] =	wrdreg s6  }
0xab: {  	[dreg:$0x4] =	wrdreg $0xC0  }
0xac: {  	_ =	task [dreg:s8], $0x5FFFF  }
0xad: {  	[dreg:$0x1] =	wrdreg $0xFFFFFFFF  }
0xae: {  	[dreg:$0x0] =	wrdreg $0x60  }
0xaf: {  	[dreg:$0x2] =	wrdreg s2  }
0xb0: {  	[dreg:$0x3] =	wrdreg s24  }
0xb1: {  	[dreg:$0x4] =	wrdreg s18  }
0xb2: {  	[dreg:$0x5] =	wrdreg $0x9  }
0xb3: {  	_ =	task.clear_ibuf [dreg:s8], $0x6FFFF;
	_ =	strace $0x90000049  }
0xb4: {  	s29 =	simm.s32 $0x9;
	_ =	strace $0x8000004B  }
0xb5: {  	_ =	swait.ge [sflag:s29], $0x1  }
0xb6: {  	[sflag:s29] =	ssyncadd.s32 $0xFFFFFFFF  }
0xb7: {  	_ =	strace $0x9000004B  }
0xb8: {  	_ =	sfence  }
0xb9: {  	s30 =	sld [smem:$0x0];
	_ =	sdelay $0x2  }
0xba: {  	s31 =	sshll.u32 s1, $0xD;
	s1 =	sshrl.u32 s1, $0x2  }
0xbb: {  	s3 =	sand.u32 $0x4000, s31;
	s1 =	sadd.s32 s1, s30  }
0xbc: {  	s0 =	sor.u32 s3, s0;
	s1 =	sshll.u32 s1, $0x11  }
0xbd: {  	s0 =	sor.u32 s1, s0  }
0xbe: {  	s0 =	sadd.s32 $0x8F2B, s0  }
0xbf: {  	[sflag:s0] =	ssyncadd.remote.s32 $0x1  }
0xc0: {  	_ =	sfence.sel $0xFFFF  }
0xc1: {  	[dreg:$0x0] =	wrdreg $0xFFFFFFFF;
	(pc) =	sbr.abs _section_cstart, $3  }
0xc2: {  	[dreg:$0x1] =	wrdreg $0xFFFFFFFF  }
0xc3: {  	_ =	task.clear_ibuf [dreg:s8], $0x2FFFF;
	_ =	strace $0x9FFFFFFF  }
0xc4: {  	(tm) =	ssettm $0x7FFFFFFF  }
0xc5: {  	_ =	shalt  }
tec
execute0_lowered:
.L_overlay_start_1:
0x0: {  	(tag) =	ssettag $0x1  }
0x1: {  	s1 =	rddreg [dreg:$0x0]  }
0x2: {  	s5 =	rddreg [dreg:$0x1]  }
0x3: {  	s10 =	rddreg [dreg:$0x2]  }
0x4: {  	s0 =	rddreg [dreg:$0x3];
	s3 =	simm.s32 $0x0  }
0x5: {  	s4 =	srdreg.scid;
	s2 =	stileid.u32;
	s13 =	simm.s32 $0x18000  }
0x6: {  	s14 =	simm.s32 $0x4;
	s15 =	simm.s32 $0x3;
	s16 =	simm.s32 $0x4000  }
0x7: {  	s17 =	simm.s32 $0x1;
	s18 =	simm.s32 $0x2;
	s19 =	simm.s32 $0x0  }
0x8: {  	[smem:$0x7FF] =	sst s3;
	s4 =	sand.u32 $0x1, s4;
	s6 =	sshll.u32 s2, $0x1  }
0x9: {  	_ =	strace $0x8000004A;
	s7 =	ssub.s32 $0x2, s4;
	s8 =	sor.u32 s4, s6  }
.Ltmp0:
0xa: {  	s4 =	sadd.s32 $0x3000, s5;
	s5 =	sadd.s32 $0x1000, s5;
	(pc) =	sbr.rel .LBB2_1-.Ltmp0, $4  }
0xb: {  	s30 =	sshrl.u32 s7, $0x1;
	s9 =	sshll.u32 s8, $0xF;
	s31 =	sshll.u32 s8, $0x12  }
0xc: {  	vm0 =	vmmov $0x1;
	v0 =	vimm.s32 $0x0;
	s12 =	sshll.u32 s8, $0xD;
	s11 =	ssub.s32 s7, s30;
	s6 =	sadd.s32 s1, s9  }
0xd: {  	v0 =	vsel vm0, $0xFFFFFFFF, v0;
	s8 =	sor.u32 $0x8000, s31;
	s9 =	sor.u32 $0xC000, s31;
	s10 =	sadd.s32 s10, s12  }
0xe: {  	[tilespmem:$0x1FFF0] =	vst v0;
	v0 =	vimm.s32 $0x1;
	s12 =	simm.s32 $0x8000;
	s7 =	sadd.s32 $0x800, s6;
	s11 =	smax.u32 s11, $0x1  }
.LBB2_8:
0xf: {  	s19 =	sadd.s32 $0x1, s19  }
0x10: {  	p0 =	sne.s32 s19, s11  }
.Ltmp1:
0x11: {  	_ = 	snop;
	(pc) =	sbr.rel @!p0 .LBB2_9-.Ltmp1, $4  }
0x12: {  	[hbm4b:s10+s3] =	stream.linear.scatter [tilespmem:s12], [sflag:$0x4], $0x10000, $0x38;
	[tilespmem:$0x18080] =	vst v63  }
0x13: {  	_ =	swait.ge [sflag:s14], $0x10000  }
0x14: {  	[sflag:s14] =	ssyncset.done $0x0  }
0x15: {  	[sflag:s14] =	ssyncadd.s32 $0xFFFF0000  }
.LBB2_1:
0x16: {  	[tilespmem:s12], [sflag:$0x3] =	stream.linear.gather [hbm4b:s5+s3], $0x10000, $0x38;
	[tilespmem:$0x18080] =	vst v63  }
0x17: {  	_ = 	snop  }
0x18: {  	[tilespmem:s13], [sflag:$0x4] =	stream.linear.gather [hbm4b:s4+s3], $0x80, $0x38;
	[tilespmem:$0x18080] =	vst v63  }
0x19: {  	_ =	swait.ge [sflag:s14], $0x80  }
0x1a: {  	[sflag:s14] =	ssyncset.done $0x0  }
0x1b: {  	v2 =	vld [tilespmem:$0x1FFF0];
	[sflag:s14] =	ssyncadd.s32 $0xFFFFFF80  }
0x1c: {  	v1 =	vld [tilespmem:$0x18000];
	_ =	sdelay $0x3  }
0x1d: {  	vm0 =	vnez.u8 v2  }
0x1e: {  	v1 =	vnsel vm0, $0x80000000, v1  }
0x1f: {  	v1 =	vxor.u32 $0x80000000, v1  }
0x20: {  	(xrf0) =	vmax.scan.msk.u32 $0xffff, v1;
	_ =	sdelay $0x5  }
0x21: {  	v1, _, _ =	vpop (xrf0)  }
0x22: {  	(v2sf) =	vpush v1, $0xF;
	_ =	sdelay $0xe  }
0x23: {  	s20 =	spop (v2sf)  }
0x24: {  	_ =	swait.ge [sflag:s15], $0x10000  }
0x25: {  	[sflag:s15] =	ssyncset.done $0x0  }
0x26: {  	s20 =	sxor.u32 $0x80000000, s20;
	[sflag:s15] =	ssyncadd.s32 $0xFFFF0000  }
0x27: {  	[tilespmem:s3], [sflag:$0x1] =	stream.linear.gather [hbm4b:s6+s3], $0x4000, $0x38;
	[tilespmem:$0x18080] =	vst v63  }
0x28: {  	v1 =	vmov s20;
	s20 =	simm.s32 $0x0  }
0x29: {  	[tilespmem:s16], [sflag:$0x2] =	stream.linear.gather [hbm4b:s7+s3], $0x4000, $0x38;
	[tilespmem:$0x18080] =	vst v63  }
.LBB2_2:
0x2a: {  	_ =	swait.ge [sflag:s17], $0x4000  }
0x2b: {  	[sflag:s17] =	ssyncset.done $0x0  }
0x2c: {  	s21 =	simm.s32 $0x80;
	[sflag:s17] =	ssyncadd.s32 $0xFFFFC000  }
0x2d: {  	v2 =	vld [tilespmem:s21+$0x70]  }
0x2e: {  	v3 =	vld [tilespmem:s21+$0xFFFFFF90]  }
0x2f: {  	v4 =	vld [tilespmem:s21+$0xFFFFFFA0]  }
0x30: {  	v5 =	vld [tilespmem:s21+$0xFFFFFFB0];
	_ =	sdelay $0x1  }
0x31: {  	v10 =	vld [tilespmem:s21+$0xFFFFFFE0]  }
0x32: {  	v6 =	vld [tilespmem:s21+$0xFFFFFFC0];
	v8 =	vshrl.u32 v2, $0x10;
	v9 =	vshrl.u32 v3, $0x10  }
0x33: {  	v12 =	vld [tilespmem:s21+$0xFFFFFFF0];
	v11 =	vshrl.u32 v4, $0x10;
	v8 =	vand.u32 $0x7FFF, v8;
	v9 =	vand.u32 $0x7FFF, v9  }
0x34: {  	v16 =	vld [tilespmem:s21+$0x30];
	vm3 =	veq.s32 v8, v1;
	v8 =	vand.u32 $0x7FFF, v11;
	v11 =	vshrl.u32 v5, $0x10  }
0x35: {  	v7 =	vld [tilespmem:s21+$0xFFFFFFD0];
	vm6 =	veq.s32 v9, v1;
	v9 =	vand.u32 $0x7FFF, v11  }
0x36: {  	vm5 =	veq.s32 v9, v1;
	v9 =	vshrl.u32 v10, $0x10  }
0x37: {  	v3 =	vand.u32 $0xFFFF, v3;
	v2 =	vand.u32 $0xFFFF, v2;
	v11 =	vld [tilespmem:s21+$0x10];
	v9 =	vand.u32 $0x7FFF, v9  }
0x38: {  	v15 =	vld [tilespmem:s21+$0x20];
	v14 =	vshrl.u32 v6, $0x10;
	vm0 =	veq.s32 v9, v1;
	v9 =	vimm.s32 $0x0  }
0x39: {  	v13 =	vld [tilespmem:s21+$0x0];
	v60 =	vshrl.u32 v12, $0x10;
	v62 =	vshrl.u32 v16, $0x10;
	v9 =	vsel vm0, $0xFFFFFFFF, v9  }
0x3a: {  	v17 =	vld [tilespmem:s21+$0x40];
	v4 =	vand.u32 $0xFFFF, v4;
	vm4 =	veq.s32 v8, v1;
	v8 =	vshrl.u32 v7, $0x10;
	[tilespmem:$0x1FFE0] =	vst v9  }
0x3b: {  	v63 =	vand.u32 $0xFFFF, v6;
	v14 =	vand.u32 $0x7FFF, v14;
	v8 =	vand.u32 $0x7FFF, v8;
	v18 =	vld [tilespmem:s21+$0xFFFFFF80]  }
0x3c: {  	vm1 =	veq.s32 v8, v1;
	v8 =	vand.u32 $0x7FFF, v60;
	v9 =	vshrl.u32 v11, $0x10  }
0x3d: {  	vm7 =	veq.s32 v8, v1;
	v8 =	vand.u32 $0x7FFF, v9;
	v9 =	vshrl.u32 v15, $0x10  }
0x3e: {  	vm2 =	veq.s32 v14, v1;
	vm10 =	veq.s32 v8, v1;
	v8 =	vand.u32 $0x7FFF, v9  }
0x3f: {  	v9 =	vand.u32 $0x7FFF, v62;
	vm11 =	veq.s32 v8, v1;
	v8 =	vshrl.u32 v17, $0x10  }
0x40: {  	v19 =	vld [tilespmem:s21+$0x50];
	vm12 =	veq.s32 v9, v1;
	v8 =	vand.u32 $0x7FFF, v8;
	v9 =	vshrl.u32 v18, $0x10  }
0x41: {  	v5 =	vand.u32 $0xFFFF, v5;
	v20 =	vld [tilespmem:s21+$0x60];
	vm13 =	veq.s32 v8, v1;
	v8 =	vand.u32 $0x7FFF, v9  }
0x42: {  	v21 =	vand.u32 $0xFFFF, v7;
	[tilespmem:v2+s12+$0x0] =	vst.idx.add.s32.msk vm3, v0;
	vm14 =	veq.s32 v8, v1  }
0x43: {  	[tilespmem:v3+s12+$0x0] =	vst.idx.add.s32.msk vm6, v0;
	v18 =	vand.u32 $0xFFFF, v18  }
0x44: {  	[tilespmem:v4+s12+$0x0] =	vst.idx.add.s32.msk vm4, v0  }
0x45: {  	[tilespmem:v63+s12+$0x0] =	vst.idx.add.s32.msk vm2, v0  }
0x46: {  	[tilespmem:v5+s12+$0x0] =	vst.idx.add.s32.msk vm5, v0  }
0x47: {  	[tilespmem:v21+s12+$0x0] =	vst.idx.add.s32.msk vm1, v0  }
0x48: {  	[tilespmem:v18+s12+$0x0] =	vst.idx.add.s32.msk vm14, v0  }
0x49: {  	v7 =	vand.u32 $0xFFFF, v11;
	v11 =	vld [tilespmem:$0x1FFE0]  }
0x4a: {  	v9 =	vshrl.u32 v19, $0x10  }
0x4b: {  	v6 =	vshrl.u32 v20, $0x10;
	v2 =	vand.u32 $0x7FFF, v9  }
0x4c: {  	vm15 =	veq.s32 v2, v1;
	v2 =	vand.u32 $0x7FFF, v6  }
0x4d: {  	v61 =	vshrl.u32 v13, $0x10;
	vm0 =	veq.s32 v2, v1  }
0x4e: {  	v14 =	vand.u32 $0x7FFF, v61;
	vm14 =	vmmov vm0;
	vm0 =	vnez.u8 v11  }
0x4f: {  	vm9 =	veq.s32 v14, v1;
	v10 =	vand.u32 $0xFFFF, v10  }
0x50: {  	vm8 =	vmmov vm7;
	vm7 =	vmmov vm9  }
0x51: {  	v4 =	vand.u32 $0xFFFF, v17;
	v5 =	vand.u32 $0xFFFF, v16;
	vm6 =	vmmov vm10  }
0x52: {  	vm5 =	vmmov vm11;
	vm4 =	vmmov vm12;
	v3 =	vand.u32 $0xFFFF, v19  }
0x53: {  	vm3 =	vmmov vm13;
	v9 =	vand.u32 $0xFFFF, v12;
	v8 =	vand.u32 $0xFFFF, v13  }
0x54: {  	s22 =	simm.s32 $0x180;
	s21 =	simm.s32 $0x0;
	v6 =	vand.u32 $0xFFFF, v15;
	v2 =	vand.u32 $0xFFFF, v20;
	vm2 =	vmmov vm15;
	[tilespmem:v10+s12+$0x0] =	vst.idx.add.s32.msk vm0, v0  }
.LBB2_3:
0x55: {  	v12 =	vld [tilespmem:s22+$0xFFFFFFA0]  }
0x56: {  	v10 =	vld [tilespmem:s22+$0x70];
	_ =	sdelay $0x2  }
0x57: {  	v11 =	vld [tilespmem:s22+$0xFFFFFF90]  }
0x58: {  	v13 =	vld [tilespmem:s22+$0xFFFFFFB0];
	v19 =	vshrl.u32 v12, $0x10  }
0x59: {  	v14 =	vld [tilespmem:s22+$0xFFFFFFC0];
	v16 =	vshrl.u32 v10, $0x10;
	v39 =	vand.u32 $0x7FFF, v19  }
0x5a: {  	v43 =	vimm.s32 $0x0;
	v25 =	vld [tilespmem:s22+$0x40];
	v16 =	vand.u32 $0x7FFF, v16;
	vm9 =	veq.s32 v39, v1  }
0x5b: {  	[tilespmem:v4+s12+$0x0] =	vst.idx.add.s32.msk vm3, v0;
	vm1 =	veq.s32 v16, v1;
	v16 =	vsel vm9, $0xFFFFFFFF, v43  }
0x5c: {  	v15 =	vld [tilespmem:s22+$0xFFFFFFD0];
	[tilespmem:$0x1FF80] =	vst v16  }
0x5d: {  	v4 =	vld [tilespmem:$0x1FF80]  }
0x5e: {  	v18 =	vld [tilespmem:s22+$0xFFFFFFE0];
	v40 =	vshrl.u32 v13, $0x10  }
0x5f: {  	v20 =	vld [tilespmem:s22+$0xFFFFFFF0];
	v17 =	vshrl.u32 v11, $0x10;
	v41 =	vand.u32 $0x7FFF, v40  }
0x60: {  	v46 =	vimm.s32 $0x0;
	v24 =	vld [tilespmem:s22+$0x30];
	v17 =	vand.u32 $0x7FFF, v17;
	vm9 =	veq.s32 v41, v1  }
0x61: {  	[tilespmem:v9+s12+$0x0] =	vst.idx.add.s32.msk vm8, v0;
	vm0 =	veq.s32 v17, v1;
	v17 =	vsel vm9, $0xFFFFFFFF, v46  }
0x62: {  	v21 =	vld [tilespmem:s22+$0x0];
	v11 =	vand.u32 $0xFFFF, v11;
	[tilespmem:$0x1FF90] =	vst v17;
	vm3 =	vnez.u8 v4  }
0x63: {  	v49 =	vimm.s32 $0x0;
	v9 =	vand.u32 $0xFFFF, v12;
	v4 =	vld [tilespmem:$0x1FF90]  }
0x64: {  	v23 =	vld [tilespmem:s22+$0x20];
	v52 =	vimm.s32 $0x0;
	v10 =	vand.u32 $0xFFFF, v10;
	v42 =	vshrl.u32 v14, $0x10  }
0x65: {  	v26 =	vld [tilespmem:s22+$0x60];
	v45 =	vshrl.u32 v15, $0x10;
	v48 =	vshrl.u32 v18, $0x10;
	v44 =	vand.u32 $0x7FFF, v42  }
0x66: {  	[tilespmem:v8+s12+$0x0] =	vst.idx.add.s32.msk vm7, v0;
	v51 =	vshrl.u32 v20, $0x10;
	v59 =	vshrl.u32 v24, $0x10;
	vm9 =	veq.s32 v44, v1  }
0x67: {  	v47 =	vand.u32 $0x7FFF, v45;
	v50 =	vand.u32 $0x7FFF, v48;
	v16 =	vsel vm9, $0xFFFFFFFF, v49;
	[tilespmem:v11+s12+$0x0] =	vst.idx.add.s32.msk vm0, v0  }
0x68: {  	vm9 =	veq.s32 v47, v1;
	v11 =	vand.u32 $0x7FFF, v59;
	[tilespmem:v9+s12+$0x0] =	vst.idx.add.s32.msk vm3, v0;
	vm3 =	vnez.u8 v4  }
0x69: {  	[tilespmem:v2+s12+$0x0] =	vst.idx.add.s32.msk vm14, v0;
	v17 =	vsel vm9, $0xFFFFFFFF, v52;
	vm9 =	veq.s32 v11, v1;
	v11 =	vand.u32 $0xFFFF, v13  }
0x6a: {  	v53 =	vand.u32 $0x7FFF, v51;
	[tilespmem:v10+s12+$0x0] =	vst.idx.add.s32.msk vm1, v0;
	vm1 =	veq.s32 v50, v1;
	v10 =	vimm.s32 $0x0  }
0x6b: {  	v56 =	vld [tilespmem:s22+$0x50];
	v57 =	vimm.s32 $0x0;
	[tilespmem:$0x1FFC0] =	vst v17;
	v10 =	vsel vm1, $0xFFFFFFFF, v10;
	vm1 =	veq.s32 v53, v1  }
0x6c: {  	v27 =	vld [tilespmem:s22+$0xFFFFFF80];
	[tilespmem:$0x1FFD0] =	vst v10;
	v17 =	vsel vm1, $0xFFFFFFFF, v57  }
0x6d: {  	v22 =	vld [tilespmem:s22+$0x10];
	v54 =	vshrl.u32 v21, $0x10;
	[tilespmem:$0x1FFA0] =	vst v17  }
0x6e: {  	v58 =	vshrl.u32 v23, $0x10;
	v10 =	vand.u32 $0x7FFF, v54;
	[tilespmem:v11+s12+$0x0] =	vst.idx.add.s32.msk vm3, v0;
	v11 =	vand.u32 $0xFFFF, v26  }
0x6f: {  	v60 =	vshrl.u32 v25, $0x10;
	vm15 =	veq.s32 v10, v1;
	v10 =	vand.u32 $0x7FFF, v58;
	v2 =	vmovc v11;
	v11 =	vld [tilespmem:$0x1FFA0]  }
0x70: {  	[tilespmem:v7+s12+$0x0] =	vst.idx.add.s32.msk vm6, v0;
	vm1 =	veq.s32 v10, v1;
	v10 =	vand.u32 $0x7FFF, v60  }
0x71: {  	[tilespmem:v6+s12+$0x0] =	vst.idx.add.s32.msk vm5, v0;
	v7 =	vshrl.u32 v27, $0x10;
	vm10 =	veq.s32 v10, v1;
	v10 =	vshrl.u32 v56, $0x10  }
0x72: {  	[tilespmem:v3+s12+$0x0] =	vst.idx.add.s32.msk vm2, v0;
	v6 =	vand.u32 $0x7FFF, v7;
	v8 =	vand.u32 $0x7FFF, v10  }
0x73: {  	vm13 =	veq.s32 v6, v1;
	[tilespmem:$0x1FFB0] =	vst v16;
	v10 =	vshrl.u32 v26, $0x10;
	vm11 =	veq.s32 v8, v1  }
0x74: {  	v8 =	vand.u32 $0x7FFF, v10;
	v10 =	vand.u32 $0xFFFF, v27;
	vm2 =	vnez.u8 v11;
	v11 =	vld [tilespmem:$0x1FFB0];
	_ =	sdelay $0x1  }
0x75: {  	v55 =	vshrl.u32 v22, $0x10  }
0x76: {  	v16 =	vand.u32 $0x7FFF, v55  }
0x77: {  	vm0 =	veq.s32 v16, v1  }
0x78: {  	vm6 =	vmmov vm0;
	[tilespmem:v10+s12+$0x0] =	vst.idx.add.s32.msk vm13, v0;
	vm0 =	vnez.u8 v11  }
0x79: {  	v61 =	vand.u32 $0xFFFF, v14;
	v10 =	vld [tilespmem:$0x1FFC0];
	_ =	sdelay $0x4  }
0x7a: {  	[tilespmem:v61+s12+$0x0] =	vst.idx.add.s32.msk vm0, v0;
	vm0 =	vnez.u8 v10  }
0x7b: {  	v62 =	vand.u32 $0xFFFF, v15;
	v10 =	vld [tilespmem:$0x1FFD0];
	_ =	sdelay $0x4  }
0x7c: {  	s21 =	sadd.s32 $0x10, s21;
	[tilespmem:v62+s12+$0x0] =	vst.idx.add.s32.msk vm0, v0;
	vm0 =	vnez.u8 v10  }
0x7d: {  	p0 =	slt.u32 s21, $0x3F0;
	v63 =	vand.u32 $0xFFFF, v18  }
.Ltmp2:
0x7e: {  	[tilespmem:v5+s12+$0x0] =	vst.idx.add.s32.msk vm4, v0;
	v5 =	vand.u32 $0xFFFF, v24;
	v3 =	vand.u32 $0xFFFF, v56;
	v7 =	vand.u32 $0xFFFF, v22;
	(pc) =	sbr.rel @p0 .LBB2_3-.Ltmp2, $4  }
0x7f: {  	v6 =	vand.u32 $0xFFFF, v23;
	vm4 =	vmmov vm9;
	vm7 =	vmmov vm15  }
0x80: {  	vm5 =	vmmov vm1;
	vm12 =	veq.s32 v8, v1;
	v9 =	vand.u32 $0xFFFF, v20  }
0x81: {  	v8 =	vand.u32 $0xFFFF, v21;
	v4 =	vand.u32 $0xFFFF, v25;
	vm14 =	vmmov vm12  }
0x82: {  	s22 =	sadd.s32 $0x100, s22;
	vm3 =	vmmov vm10;
	vm8 =	vmmov vm2;
	vm2 =	vmmov vm11;
	[tilespmem:v63+s12+$0x0] =	vst.idx.add.s32.msk vm0, v0  }
0x83: {  	_ =	sdelay $0x4  }
0x84: {  	[tilespmem:v9+s12+$0x0] =	vst.idx.add.s32.msk vm8, v0  }
0x85: {  	[tilespmem:v8+s12+$0x0] =	vst.idx.add.s32.msk vm7, v0  }
0x86: {  	[tilespmem:v7+s12+$0x0] =	vst.idx.add.s32.msk vm6, v0  }
0x87: {  	[tilespmem:v6+s12+$0x0] =	vst.idx.add.s32.msk vm5, v0  }
0x88: {  	[tilespmem:v5+s12+$0x0] =	vst.idx.add.s32.msk vm4, v0;
	s21 =	sshll.u32 s20, $0xF;
	p0 =	seq.s32 s20, $0x7  }
0x89: {  	[tilespmem:v4+s12+$0x0] =	vst.idx.add.s32.msk vm3, v0;
	s22 =	sadd.s32 @!p0 s21, s8  }
0x8a: {  	[tilespmem:v3+s12+$0x0] =	vst.idx.add.s32.msk vm2, v0;
	s22 =	sshrl.u32 @!p0 s22, $0x3  }
0x8b: {  	[tilespmem:v2+s12+$0x0] =	vst.idx.add.s32.msk vm14, v0;
	s23 =	simm.s32 @!p0 $0x0;
	s22 =	sadd.s32 @!p0 s1, s22  }
0x8c: {  	[tilespmem:s23], [sflag:$0x1] =	stream.linear.gather @!p0 [hbm4b:s22+s23], $0x4000, $0x38;
	[tilespmem:$0x18080] =	vst v63  }
0x8d: {  	_ =	swait.ge [sflag:s18], $0x4000  }
0x8e: {  	[sflag:s18] =	ssyncset.done $0x0  }
0x8f: {  	s31 =	simm.s32 $0x4080;
	[sflag:s18] =	ssyncadd.s32 $0xFFFFC000  }
0x90: {  	v2 =	vld [tilespmem:s31+$0x70]  }
0x91: {  	v3 =	vld [tilespmem:s31+$0xFFFFFF90]  }
0x92: {  	v4 =	vld [tilespmem:s31+$0xFFFFFFA0]  }
0x93: {  	v5 =	vld [tilespmem:s31+$0xFFFFFFB0];
	_ =	sdelay $0x1  }
0x94: {  	v10 =	vld [tilespmem:s31+$0xFFFFFFE0]  }
0x95: {  	v6 =	vld [tilespmem:s31+$0xFFFFFFC0];
	v8 =	vshrl.u32 v2, $0x10;
	v9 =	vshrl.u32 v3, $0x10  }
0x96: {  	v12 =	vld [tilespmem:s31+$0xFFFFFFF0];
	v11 =	vshrl.u32 v4, $0x10;
	v8 =	vand.u32 $0x7FFF, v8;
	v9 =	vand.u32 $0x7FFF, v9  }
0x97: {  	v16 =	vld [tilespmem:s31+$0x30];
	vm3 =	veq.s32 v8, v1;
	v8 =	vand.u32 $0x7FFF, v11;
	v11 =	vshrl.u32 v5, $0x10  }
0x98: {  	v7 =	vld [tilespmem:s31+$0xFFFFFFD0];
	vm6 =	veq.s32 v9, v1;
	v9 =	vand.u32 $0x7FFF, v11  }
0x99: {  	vm5 =	veq.s32 v9, v1;
	v9 =	vshrl.u32 v10, $0x10  }
0x9a: {  	v3 =	vand.u32 $0xFFFF, v3;
	v2 =	vand.u32 $0xFFFF, v2;
	v11 =	vld [tilespmem:s31+$0x10];
	v9 =	vand.u32 $0x7FFF, v9  }
0x9b: {  	v15 =	vld [tilespmem:s31+$0x20];
	v14 =	vshrl.u32 v6, $0x10;
	vm0 =	veq.s32 v9, v1;
	v9 =	vimm.s32 $0x0  }
0x9c: {  	v13 =	vld [tilespmem:s31+$0x0];
	v60 =	vshrl.u32 v12, $0x10;
	v62 =	vshrl.u32 v16, $0x10;
	v9 =	vsel vm0, $0xFFFFFFFF, v9  }
0x9d: {  	v17 =	vld [tilespmem:s31+$0x40];
	v4 =	vand.u32 $0xFFFF, v4;
	vm4 =	veq.s32 v8, v1;
	v8 =	vshrl.u32 v7, $0x10;
	[tilespmem:$0x1FF70] =	vst v9  }
0x9e: {  	v63 =	vand.u32 $0xFFFF, v6;
	v14 =	vand.u32 $0x7FFF, v14;
	v8 =	vand.u32 $0x7FFF, v8;
	v18 =	vld [tilespmem:s31+$0xFFFFFF80]  }
0x9f: {  	vm1 =	veq.s32 v8, v1;
	v8 =	vand.u32 $0x7FFF, v60;
	v9 =	vshrl.u32 v11, $0x10  }
0xa0: {  	vm7 =	veq.s32 v8, v1;
	v8 =	vand.u32 $0x7FFF, v9;
	v9 =	vshrl.u32 v15, $0x10  }
0xa1: {  	vm2 =	veq.s32 v14, v1;
	vm10 =	veq.s32 v8, v1;
	v8 =	vand.u32 $0x7FFF, v9  }
0xa2: {  	v9 =	vand.u32 $0x7FFF, v62;
	vm11 =	veq.s32 v8, v1;
	v8 =	vshrl.u32 v17, $0x10  }
0xa3: {  	v19 =	vld [tilespmem:s31+$0x50];
	vm12 =	veq.s32 v9, v1;
	v8 =	vand.u32 $0x7FFF, v8;
	v9 =	vshrl.u32 v18, $0x10  }
0xa4: {  	v5 =	vand.u32 $0xFFFF, v5;
	v20 =	vld [tilespmem:s31+$0x60];
	vm13 =	veq.s32 v8, v1;
	v8 =	vand.u32 $0x7FFF, v9  }
0xa5: {  	v21 =	vand.u32 $0xFFFF, v7;
	[tilespmem:v2+s12+$0x0] =	vst.idx.add.s32.msk vm3, v0;
	vm14 =	veq.s32 v8, v1  }
0xa6: {  	[tilespmem:v3+s12+$0x0] =	vst.idx.add.s32.msk vm6, v0;
	v18 =	vand.u32 $0xFFFF, v18  }
0xa7: {  	[tilespmem:v4+s12+$0x0] =	vst.idx.add.s32.msk vm4, v0  }
0xa8: {  	[tilespmem:v63+s12+$0x0] =	vst.idx.add.s32.msk vm2, v0  }
0xa9: {  	[tilespmem:v5+s12+$0x0] =	vst.idx.add.s32.msk vm5, v0  }
0xaa: {  	[tilespmem:v21+s12+$0x0] =	vst.idx.add.s32.msk vm1, v0  }
0xab: {  	[tilespmem:v18+s12+$0x0] =	vst.idx.add.s32.msk vm14, v0  }
0xac: {  	v7 =	vand.u32 $0xFFFF, v11;
	v11 =	vld [tilespmem:$0x1FF70]  }
0xad: {  	v9 =	vshrl.u32 v19, $0x10  }
0xae: {  	v6 =	vshrl.u32 v20, $0x10;
	v2 =	vand.u32 $0x7FFF, v9  }
0xaf: {  	vm15 =	veq.s32 v2, v1;
	v2 =	vand.u32 $0x7FFF, v6  }
0xb0: {  	v61 =	vshrl.u32 v13, $0x10;
	vm0 =	veq.s32 v2, v1  }
0xb1: {  	v14 =	vand.u32 $0x7FFF, v61;
	vm14 =	vmmov vm0;
	vm0 =	vnez.u8 v11  }
0xb2: {  	vm9 =	veq.s32 v14, v1;
	v10 =	vand.u32 $0xFFFF, v10  }
0xb3: {  	vm8 =	vmmov vm7;
	vm7 =	vmmov vm9  }
0xb4: {  	v4 =	vand.u32 $0xFFFF, v17;
	v5 =	vand.u32 $0xFFFF, v16;
	vm6 =	vmmov vm10  }
0xb5: {  	vm5 =	vmmov vm11;
	vm4 =	vmmov vm12;
	v3 =	vand.u32 $0xFFFF, v20  }
0xb6: {  	vm3 =	vmmov vm13;
	v9 =	vand.u32 $0xFFFF, v12;
	v8 =	vand.u32 $0xFFFF, v13  }
0xb7: {  	s22 =	simm.s32 $0x0;
	s23 =	simm.s32 $0x4180;
	v6 =	vand.u32 $0xFFFF, v15;
	v2 =	vand.u32 $0xFFFF, v19;
	vm2 =	vmmov vm15;
	[tilespmem:v10+s12+$0x0] =	vst.idx.add.s32.msk vm0, v0  }
.LBB2_5:
0xb8: {  	v12 =	vld [tilespmem:s23+$0xFFFFFFA0]  }
0xb9: {  	v10 =	vld [tilespmem:s23+$0x70];
	_ =	sdelay $0x2  }
0xba: {  	v11 =	vld [tilespmem:s23+$0xFFFFFF90]  }
0xbb: {  	v13 =	vld [tilespmem:s23+$0xFFFFFFB0];
	v19 =	vshrl.u32 v12, $0x10  }
0xbc: {  	v14 =	vld [tilespmem:s23+$0xFFFFFFC0];
	v16 =	vshrl.u32 v10, $0x10;
	v39 =	vand.u32 $0x7FFF, v19  }
0xbd: {  	v43 =	vimm.s32 $0x0;
	v25 =	vld [tilespmem:s23+$0x40];
	v16 =	vand.u32 $0x7FFF, v16;
	vm9 =	veq.s32 v39, v1  }
0xbe: {  	[tilespmem:v4+s12+$0x0] =	vst.idx.add.s32.msk vm3, v0;
	vm1 =	veq.s32 v16, v1;
	v16 =	vsel vm9, $0xFFFFFFFF, v43  }
0xbf: {  	v15 =	vld [tilespmem:s23+$0xFFFFFFD0];
	[tilespmem:$0x1FF10] =	vst v16  }
0xc0: {  	v4 =	vld [tilespmem:$0x1FF10]  }
0xc1: {  	v18 =	vld [tilespmem:s23+$0xFFFFFFE0];
	v40 =	vshrl.u32 v13, $0x10  }
0xc2: {  	v20 =	vld [tilespmem:s23+$0xFFFFFFF0];
	v17 =	vshrl.u32 v11, $0x10;
	v41 =	vand.u32 $0x7FFF, v40  }
0xc3: {  	v46 =	vimm.s32 $0x0;
	v24 =	vld [tilespmem:s23+$0x30];
	v17 =	vand.u32 $0x7FFF, v17;
	vm9 =	veq.s32 v41, v1  }
0xc4: {  	[tilespmem:v9+s12+$0x0] =	vst.idx.add.s32.msk vm8, v0;
	vm0 =	veq.s32 v17, v1;
	v17 =	vsel vm9, $0xFFFFFFFF, v46  }
0xc5: {  	v21 =	vld [tilespmem:s23+$0x0];
	v11 =	vand.u32 $0xFFFF, v11;
	[tilespmem:$0x1FF20] =	vst v17;
	vm3 =	vnez.u8 v4  }
0xc6: {  	v49 =	vimm.s32 $0x0;
	v9 =	vand.u32 $0xFFFF, v12;
	v4 =	vld [tilespmem:$0x1FF20]  }
0xc7: {  	v23 =	vld [tilespmem:s23+$0x20];
	v52 =	vimm.s32 $0x0;
	v10 =	vand.u32 $0xFFFF, v10;
	v42 =	vshrl.u32 v14, $0x10  }
0xc8: {  	v26 =	vld [tilespmem:s23+$0x60];
	v45 =	vshrl.u32 v15, $0x10;
	v48 =	vshrl.u32 v18, $0x10;
	v44 =	vand.u32 $0x7FFF, v42  }
0xc9: {  	[tilespmem:v8+s12+$0x0] =	vst.idx.add.s32.msk vm7, v0;
	v51 =	vshrl.u32 v20, $0x10;
	v59 =	vshrl.u32 v24, $0x10;
	vm9 =	veq.s32 v44, v1  }
0xca: {  	v47 =	vand.u32 $0x7FFF, v45;
	v50 =	vand.u32 $0x7FFF, v48;
	v16 =	vsel vm9, $0xFFFFFFFF, v49;
	[tilespmem:v11+s12+$0x0] =	vst.idx.add.s32.msk vm0, v0  }
0xcb: {  	vm9 =	veq.s32 v47, v1;
	v11 =	vand.u32 $0x7FFF, v59;
	[tilespmem:v9+s12+$0x0] =	vst.idx.add.s32.msk vm3, v0;
	vm3 =	vnez.u8 v4  }
0xcc: {  	[tilespmem:v3+s12+$0x0] =	vst.idx.add.s32.msk vm14, v0;
	v17 =	vsel vm9, $0xFFFFFFFF, v52;
	vm9 =	veq.s32 v11, v1;
	v11 =	vand.u32 $0xFFFF, v13  }
0xcd: {  	v53 =	vand.u32 $0x7FFF, v51;
	[tilespmem:v10+s12+$0x0] =	vst.idx.add.s32.msk vm1, v0;
	vm1 =	veq.s32 v50, v1;
	v10 =	vimm.s32 $0x0  }
0xce: {  	v56 =	vld [tilespmem:s23+$0x50];
	v57 =	vimm.s32 $0x0;
	[tilespmem:$0x1FF50] =	vst v17;
	v10 =	vsel vm1, $0xFFFFFFFF, v10;
	vm1 =	veq.s32 v53, v1  }
0xcf: {  	v27 =	vld [tilespmem:s23+$0xFFFFFF80];
	[tilespmem:$0x1FF60] =	vst v10;
	v17 =	vsel vm1, $0xFFFFFFFF, v57  }
0xd0: {  	v22 =	vld [tilespmem:s23+$0x10];
	v54 =	vshrl.u32 v21, $0x10;
	[tilespmem:$0x1FF30] =	vst v17  }
0xd1: {  	v58 =	vshrl.u32 v23, $0x10;
	v10 =	vand.u32 $0x7FFF, v54;
	[tilespmem:v11+s12+$0x0] =	vst.idx.add.s32.msk vm3, v0;
	v11 =	vand.u32 $0xFFFF, v26  }
0xd2: {  	v60 =	vshrl.u32 v25, $0x10;
	vm15 =	veq.s32 v10, v1;
	v10 =	vand.u32 $0x7FFF, v58;
	v3 =	vmovc v11;
	v11 =	vld [tilespmem:$0x1FF30]  }
0xd3: {  	[tilespmem:v7+s12+$0x0] =	vst.idx.add.s32.msk vm6, v0;
	vm1 =	veq.s32 v10, v1;
	v10 =	vand.u32 $0x7FFF, v60  }
0xd4: {  	[tilespmem:v6+s12+$0x0] =	vst.idx.add.s32.msk vm5, v0;
	v7 =	vshrl.u32 v27, $0x10;
	vm10 =	veq.s32 v10, v1;
	v10 =	vshrl.u32 v56, $0x10  }
0xd5: {  	[tilespmem:v2+s12+$0x0] =	vst.idx.add.s32.msk vm2, v0;
	v6 =	vand.u32 $0x7FFF, v7;
	v8 =	vand.u32 $0x7FFF, v10  }
0xd6: {  	vm13 =	veq.s32 v6, v1;
	[tilespmem:$0x1FF40] =	vst v16;
	v10 =	vshrl.u32 v26, $0x10;
	vm11 =	veq.s32 v8, v1  }
0xd7: {  	v8 =	vand.u32 $0x7FFF, v10;
	v10 =	vand.u32 $0xFFFF, v27;
	vm2 =	vnez.u8 v11;
	v11 =	vld [tilespmem:$0x1FF40];
	_ =	sdelay $0x1  }
0xd8: {  	v55 =	vshrl.u32 v22, $0x10  }
0xd9: {  	v16 =	vand.u32 $0x7FFF, v55  }
0xda: {  	vm0 =	veq.s32 v16, v1  }
0xdb: {  	vm6 =	vmmov vm0;
	[tilespmem:v10+s12+$0x0] =	vst.idx.add.s32.msk vm13, v0;
	vm0 =	vnez.u8 v11  }
0xdc: {  	v61 =	vand.u32 $0xFFFF, v14;
	v10 =	vld [tilespmem:$0x1FF50];
	_ =	sdelay $0x4  }
0xdd: {  	[tilespmem:v61+s12+$0x0] =	vst.idx.add.s32.msk vm0, v0;
	vm0 =	vnez.u8 v10  }
0xde: {  	v62 =	vand.u32 $0xFFFF, v15;
	v10 =	vld [tilespmem:$0x1FF60];
	_ =	sdelay $0x4  }
0xdf: {  	s22 =	sadd.s32 $0x10, s22;
	[tilespmem:v62+s12+$0x0] =	vst.idx.add.s32.msk vm0, v0;
	vm0 =	vnez.u8 v10  }
0xe0: {  	p1 =	slt.u32 s22, $0x3F0;
	v63 =	vand.u32 $0xFFFF, v18  }
.Ltmp3:
0xe1: {  	[tilespmem:v5+s12+$0x0] =	vst.idx.add.s32.msk vm4, v0;
	v5 =	vand.u32 $0xFFFF, v24;
	v2 =	vand.u32 $0xFFFF, v56;
	v7 =	vand.u32 $0xFFFF, v22;
	(pc) =	sbr.rel @p1 .LBB2_5-.Ltmp3, $4  }
0xe2: {  	v6 =	vand.u32 $0xFFFF, v23;
	vm4 =	vmmov vm9;
	vm7 =	vmmov vm15  }
0xe3: {  	vm5 =	vmmov vm1;
	vm12 =	veq.s32 v8, v1;
	v9 =	vand.u32 $0xFFFF, v20  }
0xe4: {  	v8 =	vand.u32 $0xFFFF, v21;
	v4 =	vand.u32 $0xFFFF, v25;
	vm14 =	vmmov vm12  }
0xe5: {  	s23 =	sadd.s32 $0x100, s23;
	vm3 =	vmmov vm10;
	vm8 =	vmmov vm2;
	vm2 =	vmmov vm11;
	[tilespmem:v63+s12+$0x0] =	vst.idx.add.s32.msk vm0, v0  }
0xe6: {  	_ =	sdelay $0x4  }
0xe7: {  	[tilespmem:v9+s12+$0x0] =	vst.idx.add.s32.msk vm8, v0  }
0xe8: {  	[tilespmem:v8+s12+$0x0] =	vst.idx.add.s32.msk vm7, v0  }
0xe9: {  	[tilespmem:v7+s12+$0x0] =	vst.idx.add.s32.msk vm6, v0  }
.Ltmp4:
0xea: {  	[tilespmem:v6+s12+$0x0] =	vst.idx.add.s32.msk vm5, v0;
	(pc) =	sbr.rel @p0 .LBB2_8-.Ltmp4, $4  }
0xeb: {  	[tilespmem:v5+s12+$0x0] =	vst.idx.add.s32.msk vm4, v0  }
0xec: {  	[tilespmem:v4+s12+$0x0] =	vst.idx.add.s32.msk vm3, v0  }
0xed: {  	[tilespmem:v2+s12+$0x0] =	vst.idx.add.s32.msk vm2, v0  }
0xee: {  	[tilespmem:v3+s12+$0x0] =	vst.idx.add.s32.msk vm14, v0  }
.Ltmp5:
0xef: {  	(pc) =	sbr.rel .LBB2_2-.Ltmp5, $4  }
0xf0: {  	s21 =	sadd.s32 s21, s9  }
0xf1: {  	s21 =	sshrl.u32 s21, $0x3  }
0xf2: {  	s20 =	sadd.s32 $0x1, s20;
	s21 =	sadd.s32 s1, s21  }
0xf3: {  	[tilespmem:s16], [sflag:$0x2] =	stream.linear.gather [hbm4b:s21+s3], $0x4000, $0x38;
	[tilespmem:$0x18080] =	vst v63  }
.LBB2_9:
0xf4: {  	_ =	sfence.sel $0x180000  }
0xf5: {  	[bflag:$0x0] =	sbarrier.arrive $0xFFFF  }
0xf6: {  	p0 =	sne.s32 s2, $0x0;
	_ =	strace $0x9000004A  }
0xf7: {  	s0 =	sadd.s32 @!p0 $0x100000, s0;
	[bflag:$0x2] =	sbarrier.arrive $0xFFFF  }
0xf8: {  	[sflag:s0] =	ssyncadd.tile.s32 @!p0 $0x1;
	_ =	shalt  }
.Lfunc_end2:
_tile_overlayer_lowered:
.L_overlay_start_2:
0xf9: {  	(tag) =	ssettag $0x2  }
0xfa: {  	s0 =	rddreg [dreg:$0x0];
	s2 =	stileid.u32  }
0xfb: {  	s1 =	rddreg [dreg:$0x1];
	p0 =	sne.s32 s2, $0x0  }
0xfc: {  	s3 =	rddreg [dreg:$0x2];
	[bflag:$0x3] =	sbarrier.arrive $0xFFFF;
	s2 =	simm.s32 @!p0 $0x1C04  }
0xfd: {  	[timem:s3], [sflag:s2] =	dma.local @!p0 [hbm:s0], s1  }
0xfe: {  	s0 =	simm.s32 @!p0 $0x4  }
0xff: {  	_ =	swait.ge @!p0 [sflag:s0], s1  }
0x100: {  	s1 =	ssub.s32 @!p0 $0x0, s1;
	[sflag:s0] =	ssyncset.done @!p0 $0x0  }
0x101: {  	[sflag:s0] =	ssyncadd.s32 @!p0 s1  }
0x102: {  	[bflag:$0x3] =	sbarrier.arrive $0xFFFF  }
0x103: {  	_ =	shalt  }

</sc_bundles>
